<compile_context>
chip_gen: v7x
topology: tpu7x:2x2x1
jax: 0.10.2.dev20260603
libtpu: 0.0.44.dev20260713+nightly
codegen_flags: <defaults>
</compile_context>

<pallas_src>
import jax
import jax.numpy as jnp
from jax import lax
from jax.experimental import pallas as pl
from jax.experimental.pallas import tpu as pltpu
from jax.experimental.pallas import tpu_sc as plsc

_B = 32
_N = 50
_D = 128
_C = 2 * _D
_NSUB = 32
_CPW = _C // _NSUB
_LANES = 16
_IMG = _N * _N
_IMGPAD = 2560
_STEPS = 157


def _sc_body(row_hbm, col_hbm, stg_hbm, colv, rowv, pat, sem):
    cid = lax.axis_index("c")
    sid = lax.axis_index("s")
    wid = sid * 2 + cid
    c0 = wid * _CPW

    pltpu.sync_copy(col_hbm, colv)
    pltpu.sync_copy(row_hbm, rowv)

    lane = lax.iota(jnp.int32, 16)
    c0v = jnp.broadcast_to(c0, (16,))

    def build(tab_ref, minor_is_x, chan_off):
        def it(k, carry):
            p = jnp.minimum(jnp.broadcast_to(k * _LANES, (16,)) + lane, _IMG - 1)
            sel = (p % _N) if minor_is_x else (p // _N)
            for cl in range(_CPW):
                cv = c0v + jnp.broadcast_to(cl - chan_off, (16,))
                vals = plsc.load_gather(tab_ref, [sel * _D + cv])
                off = pl.multiple_of(cl * _IMGPAD + k * _LANES, _LANES)
                pat[pl.ds(off, _LANES)] = vals
            return carry

        lax.fori_loop(0, _STEPS, it, 0)

    @pl.when(c0 < _D)
    def _():
        build(colv, True, 0)

    @pl.when(c0 >= _D)
    def _():
        build(rowv, False, _D)

    copies = []
    for cl in range(_CPW):
        src = pat.at[pl.ds(cl * _IMGPAD, _IMGPAD)]
        copies.append(pltpu.async_copy(src, stg_hbm.at[c0 + cl], sem))
    for cp in copies:
        cp.wait()


def _tc_body(stg_ref, out_ref, scr_ref, s0, s1):
    scr_ref[...] = stg_ref[:, :_IMG]
    copies = []
    for b in range(_B):
        cp = pltpu.async_copy(
            scr_ref, out_ref.at[b], (s0, s1)[b % 2], priority=b % 2)
        copies.append(cp)
    for cp in copies:
        cp.wait()


def kernel(mask, row_embed, col_embed):
    del mask
    sc = pl.kernel(
        _sc_body,
        out_type=jax.ShapeDtypeStruct((_C, _IMGPAD), jnp.float32),
        mesh=plsc.VectorSubcoreMesh(core_axis_name="c", subcore_axis_name="s"),
        compiler_params=pltpu.CompilerParams(needs_layout_passes=False),
        scratch_types=[
            pltpu.VMEM((_N * _D,), jnp.float32),
            pltpu.VMEM((_N * _D,), jnp.float32),
            pltpu.VMEM((_CPW * _IMGPAD,), jnp.float32),
            pltpu.SemaphoreType.DMA,
        ],
    )
    stg = sc(row_embed.reshape(-1), col_embed.reshape(-1))
    out = pl.pallas_call(
        _tc_body,
        out_shape=jax.ShapeDtypeStruct((_B, _C, _IMG), jnp.float32),
        in_specs=[pl.BlockSpec((_C, _IMGPAD), lambda: (0, 0))],
        out_specs=pl.BlockSpec(memory_space=pl.ANY),
        scratch_shapes=[
            pltpu.VMEM((_C, _IMG), jnp.float32),
            pltpu.SemaphoreType.DMA,
            pltpu.SemaphoreType.DMA,
        ],
    )(stg)
    return out.reshape(_B, _C, _N, _N)

# --- scband reference (transcript-rebuilt; emitter-appended) ---
"""Pipeline reference for scband-position-embedding-learned-3659312136715 (READ-ONLY COPY).

The authoritative reference and input builder live on the scoring server;
editing this copy changes nothing except your own understanding.
"""

import jax, jax.numpy as jnp
import numpy as np

NUM_EMBEDDINGS = 50
NUM_POS_FEATS = 128

def setup_inputs(seed: int = 0) -> dict:
    key = jax.random.key(seed)
    k1, k2 = jax.random.split(key)
    mask = jnp.zeros((32, 50, 50), dtype=jnp.bool_)
    # nn.init.uniform_ -> U[0, 1)
    row_embed = jax.random.uniform(k1, (NUM_EMBEDDINGS, NUM_POS_FEATS), dtype=jnp.float32)
    col_embed = jax.random.uniform(k2, (NUM_EMBEDDINGS, NUM_POS_FEATS), dtype=jnp.float32)
    return {"mask": mask, "row_embed": row_embed, "col_embed": col_embed}

def reference(mask, row_embed, col_embed):
    B = mask.shape[0]
    h, w = mask.shape[-2], mask.shape[-1]
    i = jnp.arange(w)
    j = jnp.arange(h)
    x_emb = jnp.take(col_embed, i, axis=0)  # [w, d]
    y_emb = jnp.take(row_embed, j, axis=0)  # [h, d]
    d = x_emb.shape[-1]
    x_rep = jnp.broadcast_to(x_emb[None, :, :], (h, w, d))   # repeat over rows
    y_rep = jnp.broadcast_to(y_emb[:, None, :], (h, w, d))   # repeat over cols
    pos = jnp.concatenate([x_rep, y_rep], axis=-1)           # [h, w, 2d]
    pos = jnp.transpose(pos, (2, 0, 1))[None, :, :, :]        # [1, 2d, h, w]
    pos = jnp.broadcast_to(pos, (B, 2 * d, h, w))
    return pos

if __name__ == "__main__":
    import jax
    _d = setup_inputs()
    print(jax.jit(kernel)(*tuple(_d.values())))

</pallas_src>

<mosaic_0001>
#map = affine_map<(d0, d1) -> (0)>
#map1 = affine_map<(d0, d1) -> (0, 0)>
module attributes {stable_mosaic.version = 14 : i64} {
  func.func @_sc_body(%arg0: i32, %arg1: i32, %arg2: memref<6400xf32, #tpu.memory_space<hbm>>, %arg3: memref<6400xf32, #tpu.memory_space<hbm>>, %arg4: memref<256x2560xf32, #tpu.memory_space<hbm>>, %arg5: memref<6400xf32, #tpu.memory_space<vmem>>, %arg6: memref<6400xf32, #tpu.memory_space<vmem>>, %arg7: memref<20480xf32, #tpu.memory_space<vmem>>, %arg8: memref<!tpu.dma_semaphore, #tpu.memory_space<semaphore_mem>>) attributes {dimension_semantics = [#tpu.dimension_semantics<core_parallel>, #tpu.dimension_semantics<subcore_parallel>], iteration_bounds = array<i64: 2, 16>, scalar_prefetch = 0 : i64, scratch_operands = 4 : i64, tpu.core_type = #tpu.core_type<sc_vector_subcore>, window_params = [{transform_indices = #map}, {transform_indices = #map}, {transform_indices = #map1}]} {
    %mul3A = arith.constant 2 : i32
    %mul3A_0 = arith.muli %arg1, %mul3A : i32
    %add3A = arith.addi %mul3A_0, %arg0 : i32
    %mul3A_1 = arith.constant 8 : i32
    %mul3A_2 = arith.muli %add3A, %mul3A_1 : i32
    "tpu.region"() ({
      %run_scoped3A = tpu.sem_alloc : memref<!tpu.dma_semaphore, #tpu.memory_space<semaphore_mem>>
      tpu.enqueue_dma source(%arg3 : memref<6400xf32, #tpu.memory_space<hbm>>) target(%arg5 : memref<6400xf32, #tpu.memory_space<vmem>>) target_semaphore(%run_scoped3A : memref<!tpu.dma_semaphore, #tpu.memory_space<semaphore_mem>>)
      tpu.wait_dma2 semaphore(%run_scoped3A : memref<!tpu.dma_semaphore, #tpu.memory_space<semaphore_mem>>) src(%arg3 : memref<6400xf32, #tpu.memory_space<hbm>>) dst(%arg5 : memref<6400xf32, #tpu.memory_space<vmem>>)
      tpu.yield
    }) : () -> ()
    "tpu.region"() ({
      %run_scoped3A = tpu.sem_alloc : memref<!tpu.dma_semaphore, #tpu.memory_space<semaphore_mem>>
      tpu.enqueue_dma source(%arg2 : memref<6400xf32, #tpu.memory_space<hbm>>) target(%arg6 : memref<6400xf32, #tpu.memory_space<vmem>>) target_semaphore(%run_scoped3A : memref<!tpu.dma_semaphore, #tpu.memory_space<semaphore_mem>>)
      tpu.wait_dma2 semaphore(%run_scoped3A : memref<!tpu.dma_semaphore, #tpu.memory_space<semaphore_mem>>) src(%arg2 : memref<6400xf32, #tpu.memory_space<hbm>>) dst(%arg6 : memref<6400xf32, #tpu.memory_space<vmem>>)
      tpu.yield
    }) : () -> ()
    %iota3A = tpu.iota {dimensions = array<i32: 0>} : vector<16xi32>
    %broadcast_in_dim3A = vector.broadcast %mul3A_2 : i32 to vector<16xi32>
    %lt3A = arith.constant 128 : i32
    %lt3A_3 = arith.cmpi slt, %mul3A_2, %lt3A : i32
    %convert_element_type3A = arith.extui %lt3A_3 : i1 to i32
    %cond3A = arith.constant 0 : i32
    %cond3A_4 = arith.cmpi ne, %convert_element_type3A, %cond3A : i32
    scf.if %cond3A_4 {
      %scan3A = arith.constant 0 : i32
      %scan3A_183 = arith.constant 0 : i32
      %scan3A_184 = arith.constant 157 : i32
      %scan3A_185 = arith.addi %scan3A_183, %scan3A_184 : i32
      %scan3A_186 = arith.constant 1 : i32
      scf.for %scan3A_188 = %scan3A_183 to %scan3A_185 step %scan3A_186  : i32 {
        %mul3A_189 = arith.constant 16 : i32
        %mul3A_190 = arith.muli %scan3A_188, %mul3A_189 : i32
        %broadcast_in_dim3A_191 = vector.broadcast %mul3A_190 : i32 to vector<16xi32>
        %add3A_192 = arith.addi %broadcast_in_dim3A_191, %iota3A : vector<16xi32>
        %min3A = arith.constant 2499 : i32
        %min3A_193 = vector.broadcast %min3A : i32 to vector<16xi32>
        %min3A_194 = arith.minsi %add3A_192, %min3A_193 : vector<16xi32>
        %jit3A = arith.constant 50 : i32
        %eq3A = arith.constant 0 : i32
        %eq3A_195 = arith.cmpi eq, %jit3A, %eq3A : i32
        %jit3A_196 = arith.constant 1 : i32
        %select_n3A = arith.select %eq3A_195, %jit3A_196, %jit3A : i32
        %rem3A = vector.broadcast %select_n3A : i32 to vector<16xi32>
        %rem3A_197 = arith.remsi %min3A_194, %rem3A : vector<16xi32>
        %ne3A = arith.constant 0 : i32
        %ne3A_198 = vector.broadcast %ne3A : i32 to vector<16xi32>
        %ne3A_199 = arith.cmpi ne, %rem3A_197, %ne3A_198 : vector<16xi32>
        %lt3A_200 = arith.constant 0 : i32
        %lt3A_201 = vector.broadcast %lt3A_200 : i32 to vector<16xi32>
        %lt3A_202 = arith.cmpi slt, %rem3A_197, %lt3A_201 : vector<16xi32>
        %lt3A_203 = arith.constant 0 : i32
        %lt3A_204 = arith.cmpi slt, %select_n3A, %lt3A_203 : i32
        %ne3A_205 = vector.broadcast %lt3A_204 : i1 to vector<16xi1>
        %ne3A_206 = vector.broadcast %ne3A_205 : vector<16xi1> to vector<16xi1>
        %ne3A_207 = arith.xori %lt3A_202, %ne3A_206 : vector<16xi1>
        %and3A = arith.andi %ne3A_207, %ne3A_199 : vector<16xi1>
        %add3A_208 = vector.broadcast %select_n3A : i32 to vector<16xi32>
        %add3A_209 = arith.addi %rem3A_197, %add3A_208 : vector<16xi32>
        %select_n3A_210 = arith.select %and3A, %add3A_209, %rem3A_197 : vector<16xi1>, vector<16xi32>
        %broadcast_in_dim3A_211 = arith.constant 0 : i32
        %broadcast_in_dim3A_212 = vector.broadcast %broadcast_in_dim3A_211 : i32 to vector<16xi32>
        %add3A_213 = arith.addi %broadcast_in_dim3A, %broadcast_in_dim3A_212 : vector<16xi32>
        %mul3A_214 = arith.constant 128 : i32
        %mul3A_215 = vector.broadcast %mul3A_214 : i32 to vector<16xi32>
        %mul3A_216 = arith.muli %select_n3A_210, %mul3A_215 : vector<16xi32>
        %add3A_217 = arith.addi %mul3A_216, %add3A_213 : vector<16xi32>
        %gather3A = tpu.vector_load_idx %arg5[%add3A_217] : memref<6400xf32, #tpu.memory_space<vmem>>[vector<16xi32>], vector<16xf32>,
        %mul3A_218 = arith.constant 16 : i32
        %mul3A_219 = arith.muli %scan3A_188, %mul3A_218 : i32
        %add3A_220 = arith.constant 0 : i32
        %add3A_221 = arith.addi %add3A_220, %mul3A_219 : i32
        %multiple_of3A = tpu.assume_multiple %add3A_221, 16 : i32
        %swap3A = arith.index_cast %multiple_of3A : i32 to index
        %swap3A_222 = tpu.vector_load %arg7[%swap3A] {strides = array<i32>} : memref<20480xf32, #tpu.memory_space<vmem>>, vector<16xf32>,
        tpu.vector_store %arg7[%swap3A], %gather3A {strides = array<i32>} : memref<20480xf32, #tpu.memory_space<vmem>>, vector<16xf32>,
        %broadcast_in_dim3A_223 = arith.constant 1 : i32
        %broadcast_in_dim3A_224 = vector.broadcast %broadcast_in_dim3A_223 : i32 to vector<16xi32>
        %add3A_225 = arith.addi %broadcast_in_dim3A, %broadcast_in_dim3A_224 : vector<16xi32>
        %mul3A_226 = arith.constant 128 : i32
        %mul3A_227 = vector.broadcast %mul3A_226 : i32 to vector<16xi32>
        %mul3A_228 = arith.muli %select_n3A_210, %mul3A_227 : vector<16xi32>
        %add3A_229 = arith.addi %mul3A_228, %add3A_225 : vector<16xi32>
        %gather3A_230 = tpu.vector_load_idx %arg5[%add3A_229] : memref<6400xf32, #tpu.memory_space<vmem>>[vector<16xi32>], vector<16xf32>,
        %mul3A_231 = arith.constant 16 : i32
        %mul3A_232 = arith.muli %scan3A_188, %mul3A_231 : i32
        %add3A_233 = arith.constant 2560 : i32
        %add3A_234 = arith.addi %add3A_233, %mul3A_232 : i32
        %multiple_of3A_235 = tpu.assume_multiple %add3A_234, 16 : i32
        %swap3A_236 = arith.index_cast %multiple_of3A_235 : i32 to index
        %swap3A_237 = tpu.vector_load %arg7[%swap3A_236] {strides = array<i32>} : memref<20480xf32, #tpu.memory_space<vmem>>, vector<16xf32>,
        tpu.vector_store %arg7[%swap3A_236], %gather3A_230 {strides = array<i32>} : memref<20480xf32, #tpu.memory_space<vmem>>, vector<16xf32>,
        %broadcast_in_dim3A_238 = arith.constant 2 : i32
        %broadcast_in_dim3A_239 = vector.broadcast %broadcast_in_dim3A_238 : i32 to vector<16xi32>
        %add3A_240 = arith.addi %broadcast_in_dim3A, %broadcast_in_dim3A_239 : vector<16xi32>
        %mul3A_241 = arith.constant 128 : i32
        %mul3A_242 = vector.broadcast %mul3A_241 : i32 to vector<16xi32>
        %mul3A_243 = arith.muli %select_n3A_210, %mul3A_242 : vector<16xi32>
        %add3A_244 = arith.addi %mul3A_243, %add3A_240 : vector<16xi32>
        %gather3A_245 = tpu.vector_load_idx %arg5[%add3A_244] : memref<6400xf32, #tpu.memory_space<vmem>>[vector<16xi32>], vector<16xf32>,
        %mul3A_246 = arith.constant 16 : i32
        %mul3A_247 = arith.muli %scan3A_188, %mul3A_246 : i32
        %add3A_248 = arith.constant 5120 : i32
        %add3A_249 = arith.addi %add3A_248, %mul3A_247 : i32
        %multiple_of3A_250 = tpu.assume_multiple %add3A_249, 16 : i32
        %swap3A_251 = arith.index_cast %multiple_of3A_250 : i32 to index
        %swap3A_252 = tpu.vector_load %arg7[%swap3A_251] {strides = array<i32>} : memref<20480xf32, #tpu.memory_space<vmem>>, vector<16xf32>,
        tpu.vector_store %arg7[%swap3A_251], %gather3A_245 {strides = array<i32>} : memref<20480xf32, #tpu.memory_space<vmem>>, vector<16xf32>,
        %broadcast_in_dim3A_253 = arith.constant 3 : i32
        %broadcast_in_dim3A_254 = vector.broadcast %broadcast_in_dim3A_253 : i32 to vector<16xi32>
        %add3A_255 = arith.addi %broadcast_in_dim3A, %broadcast_in_dim3A_254 : vector<16xi32>
        %mul3A_256 = arith.constant 128 : i32
        %mul3A_257 = vector.broadcast %mul3A_256 : i32 to vector<16xi32>
        %mul3A_258 = arith.muli %select_n3A_210, %mul3A_257 : vector<16xi32>
        %add3A_259 = arith.addi %mul3A_258, %add3A_255 : vector<16xi32>
        %gather3A_260 = tpu.vector_load_idx %arg5[%add3A_259] : memref<6400xf32, #tpu.memory_space<vmem>>[vector<16xi32>], vector<16xf32>,
        %mul3A_261 = arith.constant 16 : i32
        %mul3A_262 = arith.muli %scan3A_188, %mul3A_261 : i32
        %add3A_263 = arith.constant 7680 : i32
        %add3A_264 = arith.addi %add3A_263, %mul3A_262 : i32
        %multiple_of3A_265 = tpu.assume_multiple %add3A_264, 16 : i32
        %swap3A_266 = arith.index_cast %multiple_of3A_265 : i32 to index
        %swap3A_267 = tpu.vector_load %arg7[%swap3A_266] {strides = array<i32>} : memref<20480xf32, #tpu.memory_space<vmem>>, vector<16xf32>,
        tpu.vector_store %arg7[%swap3A_266], %gather3A_260 {strides = array<i32>} : memref<20480xf32, #tpu.memory_space<vmem>>, vector<16xf32>,
        %broadcast_in_dim3A_268 = arith.constant 4 : i32
        %broadcast_in_dim3A_269 = vector.broadcast %broadcast_in_dim3A_268 : i32 to vector<16xi32>
        %add3A_270 = arith.addi %broadcast_in_dim3A, %broadcast_in_dim3A_269 : vector<16xi32>
        %mul3A_271 = arith.constant 128 : i32
        %mul3A_272 = vector.broadcast %mul3A_271 : i32 to vector<16xi32>
        %mul3A_273 = arith.muli %select_n3A_210, %mul3A_272 : vector<16xi32>
        %add3A_274 = arith.addi %mul3A_273, %add3A_270 : vector<16xi32>
        %gather3A_275 = tpu.vector_load_idx %arg5[%add3A_274] : memref<6400xf32, #tpu.memory_space<vmem>>[vector<16xi32>], vector<16xf32>,
        %mul3A_276 = arith.constant 16 : i32
        %mul3A_277 = arith.muli %scan3A_188, %mul3A_276 : i32
        %add3A_278 = arith.constant 10240 : i32
        %add3A_279 = arith.addi %add3A_278, %mul3A_277 : i32
        %multiple_of3A_280 = tpu.assume_multiple %add3A_279, 16 : i32
        %swap3A_281 = arith.index_cast %multiple_of3A_280 : i32 to index
        %swap3A_282 = tpu.vector_load %arg7[%swap3A_281] {strides = array<i32>} : memref<20480xf32, #tpu.memory_space<vmem>>, vector<16xf32>,
        tpu.vector_store %arg7[%swap3A_281], %gather3A_275 {strides = array<i32>} : memref<20480xf32, #tpu.memory_space<vmem>>, vector<16xf32>,
        %broadcast_in_dim3A_283 = arith.constant 5 : i32
        %broadcast_in_dim3A_284 = vector.broadcast %broadcast_in_dim3A_283 : i32 to vector<16xi32>
        %add3A_285 = arith.addi %broadcast_in_dim3A, %broadcast_in_dim3A_284 : vector<16xi32>
        %mul3A_286 = arith.constant 128 : i32
        %mul3A_287 = vector.broadcast %mul3A_286 : i32 to vector<16xi32>
        %mul3A_288 = arith.muli %select_n3A_210, %mul3A_287 : vector<16xi32>
        %add3A_289 = arith.addi %mul3A_288, %add3A_285 : vector<16xi32>
        %gather3A_290 = tpu.vector_load_idx %arg5[%add3A_289] : memref<6400xf32, #tpu.memory_space<vmem>>[vector<16xi32>], vector<16xf32>,
        %mul3A_291 = arith.constant 16 : i32
        %mul3A_292 = arith.muli %scan3A_188, %mul3A_291 : i32
        %add3A_293 = arith.constant 12800 : i32
        %add3A_294 = arith.addi %add3A_293, %mul3A_292 : i32
        %multiple_of3A_295 = tpu.assume_multiple %add3A_294, 16 : i32
        %swap3A_296 = arith.index_cast %multiple_of3A_295 : i32 to index
        %swap3A_297 = tpu.vector_load %arg7[%swap3A_296] {strides = array<i32>} : memref<20480xf32, #tpu.memory_space<vmem>>, vector<16xf32>,
        tpu.vector_store %arg7[%swap3A_296], %gather3A_290 {strides = array<i32>} : memref<20480xf32, #tpu.memory_space<vmem>>, vector<16xf32>,
        %broadcast_in_dim3A_298 = arith.constant 6 : i32
        %broadcast_in_dim3A_299 = vector.broadcast %broadcast_in_dim3A_298 : i32 to vector<16xi32>
        %add3A_300 = arith.addi %broadcast_in_dim3A, %broadcast_in_dim3A_299 : vector<16xi32>
        %mul3A_301 = arith.constant 128 : i32
        %mul3A_302 = vector.broadcast %mul3A_301 : i32 to vector<16xi32>
        %mul3A_303 = arith.muli %select_n3A_210, %mul3A_302 : vector<16xi32>
        %add3A_304 = arith.addi %mul3A_303, %add3A_300 : vector<16xi32>
        %gather3A_305 = tpu.vector_load_idx %arg5[%add3A_304] : memref<6400xf32, #tpu.memory_space<vmem>>[vector<16xi32>], vector<16xf32>,
        %mul3A_306 = arith.constant 16 : i32
        %mul3A_307 = arith.muli %scan3A_188, %mul3A_306 : i32
        %add3A_308 = arith.constant 15360 : i32
        %add3A_309 = arith.addi %add3A_308, %mul3A_307 : i32
        %multiple_of3A_310 = tpu.assume_multiple %add3A_309, 16 : i32
        %swap3A_311 = arith.index_cast %multiple_of3A_310 : i32 to index
        %swap3A_312 = tpu.vector_load %arg7[%swap3A_311] {strides = array<i32>} : memref<20480xf32, #tpu.memory_space<vmem>>, vector<16xf32>,
        tpu.vector_store %arg7[%swap3A_311], %gather3A_305 {strides = array<i32>} : memref<20480xf32, #tpu.memory_space<vmem>>, vector<16xf32>,
        %broadcast_in_dim3A_313 = arith.constant 7 : i32
        %broadcast_in_dim3A_314 = vector.broadcast %broadcast_in_dim3A_313 : i32 to vector<16xi32>
        %add3A_315 = arith.addi %broadcast_in_dim3A, %broadcast_in_dim3A_314 : vector<16xi32>
        %mul3A_316 = arith.constant 128 : i32
        %mul3A_317 = vector.broadcast %mul3A_316 : i32 to vector<16xi32>
        %mul3A_318 = arith.muli %select_n3A_210, %mul3A_317 : vector<16xi32>
        %add3A_319 = arith.addi %mul3A_318, %add3A_315 : vector<16xi32>
        %gather3A_320 = tpu.vector_load_idx %arg5[%add3A_319] : memref<6400xf32, #tpu.memory_space<vmem>>[vector<16xi32>], vector<16xf32>,
        %mul3A_321 = arith.constant 16 : i32
        %mul3A_322 = arith.muli %scan3A_188, %mul3A_321 : i32
        %add3A_323 = arith.constant 17920 : i32
        %add3A_324 = arith.addi %add3A_323, %mul3A_322 : i32
        %multiple_of3A_325 = tpu.assume_multiple %add3A_324, 16 : i32
        %swap3A_326 = arith.index_cast %multiple_of3A_325 : i32 to index
        %swap3A_327 = tpu.vector_load %arg7[%swap3A_326] {strides = array<i32>} : memref<20480xf32, #tpu.memory_space<vmem>>, vector<16xf32>,
        tpu.vector_store %arg7[%swap3A_326], %gather3A_320 {strides = array<i32>} : memref<20480xf32, #tpu.memory_space<vmem>>, vector<16xf32>,
      }
      %scan3A_187 = arith.constant 157 : i32
    } else {
    }
    %ge3A = arith.constant 128 : i32
    %ge3A_5 = arith.cmpi sge, %mul3A_2, %ge3A : i32
    %convert_element_type3A_6 = arith.extui %ge3A_5 : i1 to i32
    %cond3A_7 = arith.constant 0 : i32
    %cond3A_8 = arith.cmpi ne, %convert_element_type3A_6, %cond3A_7 : i32
    scf.if %cond3A_8 {
      %scan3A = arith.constant 0 : i32
      %scan3A_183 = arith.constant 0 : i32
      %scan3A_184 = arith.constant 157 : i32
      %scan3A_185 = arith.addi %scan3A_183, %scan3A_184 : i32
      %scan3A_186 = arith.constant 1 : i32
      scf.for %scan3A_188 = %scan3A_183 to %scan3A_185 step %scan3A_186  : i32 {
        %mul3A_189 = arith.constant 16 : i32
        %mul3A_190 = arith.muli %scan3A_188, %mul3A_189 : i32
        %broadcast_in_dim3A_191 = vector.broadcast %mul3A_190 : i32 to vector<16xi32>
        %add3A_192 = arith.addi %broadcast_in_dim3A_191, %iota3A : vector<16xi32>
        %min3A = arith.constant 2499 : i32
        %min3A_193 = vector.broadcast %min3A : i32 to vector<16xi32>
        %min3A_194 = arith.minsi %add3A_192, %min3A_193 : vector<16xi32>
        %jit3A = arith.constant 50 : i32
        %div3A = vector.broadcast %jit3A : i32 to vector<16xi32>
        %div3A_195 = arith.divsi %min3A_194, %div3A : vector<16xi32>
        %sign3A = arith.constant 0 : i32
        %sign3A_196 = vector.broadcast %sign3A : i32 to vector<16xi32>
        %sign3A_197 = arith.cmpi sgt, %min3A_194, %sign3A_196 : vector<16xi32>
        %sign3A_198 = arith.extui %sign3A_197 : vector<16xi1> to vector<16xi32>
        %sign3A_199 = arith.constant 0 : i32
        %sign3A_200 = vector.broadcast %sign3A_199 : i32 to vector<16xi32>
        %sign3A_201 = arith.cmpi slt, %min3A_194, %sign3A_200 : vector<16xi32>
        %sign3A_202 = arith.extui %sign3A_201 : vector<16xi1> to vector<16xi32>
        %sign3A_203 = arith.subi %sign3A_198, %sign3A_202 : vector<16xi32>
        %sign3A_204 = arith.constant 0 : i32
        %sign3A_205 = arith.cmpi sgt, %jit3A, %sign3A_204 : i32
        %sign3A_206 = arith.extui %sign3A_205 : i1 to i32
        %sign3A_207 = arith.constant 0 : i32
        %sign3A_208 = arith.cmpi slt, %jit3A, %sign3A_207 : i32
        %sign3A_209 = arith.extui %sign3A_208 : i1 to i32
        %sign3A_210 = arith.subi %sign3A_206, %sign3A_209 : i32
        %ne3A = vector.broadcast %sign3A_210 : i32 to vector<16xi32>
        %ne3A_211 = arith.cmpi ne, %sign3A_203, %ne3A : vector<16xi32>
        %rem3A = vector.broadcast %jit3A : i32 to vector<16xi32>
        %rem3A_212 = arith.remsi %min3A_194, %rem3A : vector<16xi32>
        %ne3A_213 = arith.constant 0 : i32
        %ne3A_214 = vector.broadcast %ne3A_213 : i32 to vector<16xi32>
        %ne3A_215 = arith.cmpi ne, %rem3A_212, %ne3A_214 : vector<16xi32>
        %and3A = arith.andi %ne3A_211, %ne3A_215 : vector<16xi1>
        %sub3A = arith.constant 1 : i32
        %sub3A_216 = vector.broadcast %sub3A : i32 to vector<16xi32>
        %sub3A_217 = arith.subi %div3A_195, %sub3A_216 : vector<16xi32>
        %select_n3A = arith.select %and3A, %sub3A_217, %div3A_195 : vector<16xi1>, vector<16xi32>
        %broadcast_in_dim3A_218 = arith.constant -128 : i32
        %broadcast_in_dim3A_219 = vector.broadcast %broadcast_in_dim3A_218 : i32 to vector<16xi32>
        %add3A_220 = arith.addi %broadcast_in_dim3A, %broadcast_in_dim3A_219 : vector<16xi32>
        %mul3A_221 = arith.constant 128 : i32
        %mul3A_222 = vector.broadcast %mul3A_221 : i32 to vector<16xi32>
        %mul3A_223 = arith.muli %select_n3A, %mul3A_222 : vector<16xi32>
        %add3A_224 = arith.addi %mul3A_223, %add3A_220 : vector<16xi32>
        %gather3A = tpu.vector_load_idx %arg6[%add3A_224] : memref<6400xf32, #tpu.memory_space<vmem>>[vector<16xi32>], vector<16xf32>,
        %mul3A_225 = arith.constant 16 : i32
        %mul3A_226 = arith.muli %scan3A_188, %mul3A_225 : i32
        %add3A_227 = arith.constant 0 : i32
        %add3A_228 = arith.addi %add3A_227, %mul3A_226 : i32
        %multiple_of3A = tpu.assume_multiple %add3A_228, 16 : i32
        %swap3A = arith.index_cast %multiple_of3A : i32 to index
        %swap3A_229 = tpu.vector_load %arg7[%swap3A] {strides = array<i32>} : memref<20480xf32, #tpu.memory_space<vmem>>, vector<16xf32>,
        tpu.vector_store %arg7[%swap3A], %gather3A {strides = array<i32>} : memref<20480xf32, #tpu.memory_space<vmem>>, vector<16xf32>,
        %broadcast_in_dim3A_230 = arith.constant -127 : i32
        %broadcast_in_dim3A_231 = vector.broadcast %broadcast_in_dim3A_230 : i32 to vector<16xi32>
        %add3A_232 = arith.addi %broadcast_in_dim3A, %broadcast_in_dim3A_231 : vector<16xi32>
        %mul3A_233 = arith.constant 128 : i32
        %mul3A_234 = vector.broadcast %mul3A_233 : i32 to vector<16xi32>
        %mul3A_235 = arith.muli %select_n3A, %mul3A_234 : vector<16xi32>
        %add3A_236 = arith.addi %mul3A_235, %add3A_232 : vector<16xi32>
        %gather3A_237 = tpu.vector_load_idx %arg6[%add3A_236] : memref<6400xf32, #tpu.memory_space<vmem>>[vector<16xi32>], vector<16xf32>,
        %mul3A_238 = arith.constant 16 : i32
        %mul3A_239 = arith.muli %scan3A_188, %mul3A_238 : i32
        %add3A_240 = arith.constant 2560 : i32
        %add3A_241 = arith.addi %add3A_240, %mul3A_239 : i32
        %multiple_of3A_242 = tpu.assume_multiple %add3A_241, 16 : i32
        %swap3A_243 = arith.index_cast %multiple_of3A_242 : i32 to index
        %swap3A_244 = tpu.vector_load %arg7[%swap3A_243] {strides = array<i32>} : memref<20480xf32, #tpu.memory_space<vmem>>, vector<16xf32>,
        tpu.vector_store %arg7[%swap3A_243], %gather3A_237 {strides = array<i32>} : memref<20480xf32, #tpu.memory_space<vmem>>, vector<16xf32>,
        %broadcast_in_dim3A_245 = arith.constant -126 : i32
        %broadcast_in_dim3A_246 = vector.broadcast %broadcast_in_dim3A_245 : i32 to vector<16xi32>
        %add3A_247 = arith.addi %broadcast_in_dim3A, %broadcast_in_dim3A_246 : vector<16xi32>
        %mul3A_248 = arith.constant 128 : i32
        %mul3A_249 = vector.broadcast %mul3A_248 : i32 to vector<16xi32>
        %mul3A_250 = arith.muli %select_n3A, %mul3A_249 : vector<16xi32>
        %add3A_251 = arith.addi %mul3A_250, %add3A_247 : vector<16xi32>
        %gather3A_252 = tpu.vector_load_idx %arg6[%add3A_251] : memref<6400xf32, #tpu.memory_space<vmem>>[vector<16xi32>], vector<16xf32>,
        %mul3A_253 = arith.constant 16 : i32
        %mul3A_254 = arith.muli %scan3A_188, %mul3A_253 : i32
        %add3A_255 = arith.constant 5120 : i32
        %add3A_256 = arith.addi %add3A_255, %mul3A_254 : i32
        %multiple_of3A_257 = tpu.assume_multiple %add3A_256, 16 : i32
        %swap3A_258 = arith.index_cast %multiple_of3A_257 : i32 to index
        %swap3A_259 = tpu.vector_load %arg7[%swap3A_258] {strides = array<i32>} : memref<20480xf32, #tpu.memory_space<vmem>>, vector<16xf32>,
        tpu.vector_store %arg7[%swap3A_258], %gather3A_252 {strides = array<i32>} : memref<20480xf32, #tpu.memory_space<vmem>>, vector<16xf32>,
        %broadcast_in_dim3A_260 = arith.constant -125 : i32
        %broadcast_in_dim3A_261 = vector.broadcast %broadcast_in_dim3A_260 : i32 to vector<16xi32>
        %add3A_262 = arith.addi %broadcast_in_dim3A, %broadcast_in_dim3A_261 : vector<16xi32>
        %mul3A_263 = arith.constant 128 : i32
        %mul3A_264 = vector.broadcast %mul3A_263 : i32 to vector<16xi32>
        %mul3A_265 = arith.muli %select_n3A, %mul3A_264 : vector<16xi32>
        %add3A_266 = arith.addi %mul3A_265, %add3A_262 : vector<16xi32>
        %gather3A_267 = tpu.vector_load_idx %arg6[%add3A_266] : memref<6400xf32, #tpu.memory_space<vmem>>[vector<16xi32>], vector<16xf32>,
        %mul3A_268 = arith.constant 16 : i32
        %mul3A_269 = arith.muli %scan3A_188, %mul3A_268 : i32
        %add3A_270 = arith.constant 7680 : i32
        %add3A_271 = arith.addi %add3A_270, %mul3A_269 : i32
        %multiple_of3A_272 = tpu.assume_multiple %add3A_271, 16 : i32
        %swap3A_273 = arith.index_cast %multiple_of3A_272 : i32 to index
        %swap3A_274 = tpu.vector_load %arg7[%swap3A_273] {strides = array<i32>} : memref<20480xf32, #tpu.memory_space<vmem>>, vector<16xf32>,
        tpu.vector_store %arg7[%swap3A_273], %gather3A_267 {strides = array<i32>} : memref<20480xf32, #tpu.memory_space<vmem>>, vector<16xf32>,
        %broadcast_in_dim3A_275 = arith.constant -124 : i32
        %broadcast_in_dim3A_276 = vector.broadcast %broadcast_in_dim3A_275 : i32 to vector<16xi32>
        %add3A_277 = arith.addi %broadcast_in_dim3A, %broadcast_in_dim3A_276 : vector<16xi32>
        %mul3A_278 = arith.constant 128 : i32
        %mul3A_279 = vector.broadcast %mul3A_278 : i32 to vector<16xi32>
        %mul3A_280 = arith.muli %select_n3A, %mul3A_279 : vector<16xi32>
        %add3A_281 = arith.addi %mul3A_280, %add3A_277 : vector<16xi32>
        %gather3A_282 = tpu.vector_load_idx %arg6[%add3A_281] : memref<6400xf32, #tpu.memory_space<vmem>>[vector<16xi32>], vector<16xf32>,
        %mul3A_283 = arith.constant 16 : i32
        %mul3A_284 = arith.muli %scan3A_188, %mul3A_283 : i32
        %add3A_285 = arith.constant 10240 : i32
        %add3A_286 = arith.addi %add3A_285, %mul3A_284 : i32
        %multiple_of3A_287 = tpu.assume_multiple %add3A_286, 16 : i32
        %swap3A_288 = arith.index_cast %multiple_of3A_287 : i32 to index
        %swap3A_289 = tpu.vector_load %arg7[%swap3A_288] {strides = array<i32>} : memref<20480xf32, #tpu.memory_space<vmem>>, vector<16xf32>,
        tpu.vector_store %arg7[%swap3A_288], %gather3A_282 {strides = array<i32>} : memref<20480xf32, #tpu.memory_space<vmem>>, vector<16xf32>,
        %broadcast_in_dim3A_290 = arith.constant -123 : i32
        %broadcast_in_dim3A_291 = vector.broadcast %broadcast_in_dim3A_290 : i32 to vector<16xi32>
        %add3A_292 = arith.addi %broadcast_in_dim3A, %broadcast_in_dim3A_291 : vector<16xi32>
        %mul3A_293 = arith.constant 128 : i32
        %mul3A_294 = vector.broadcast %mul3A_293 : i32 to vector<16xi32>
        %mul3A_295 = arith.muli %select_n3A, %mul3A_294 : vector<16xi32>
        %add3A_296 = arith.addi %mul3A_295, %add3A_292 : vector<16xi32>
        %gather3A_297 = tpu.vector_load_idx %arg6[%add3A_296] : memref<6400xf32, #tpu.memory_space<vmem>>[vector<16xi32>], vector<16xf32>,
        %mul3A_298 = arith.constant 16 : i32
        %mul3A_299 = arith.muli %scan3A_188, %mul3A_298 : i32
        %add3A_300 = arith.constant 12800 : i32
        %add3A_301 = arith.addi %add3A_300, %mul3A_299 : i32
        %multiple_of3A_302 = tpu.assume_multiple %add3A_301, 16 : i32
        %swap3A_303 = arith.index_cast %multiple_of3A_302 : i32 to index
        %swap3A_304 = tpu.vector_load %arg7[%swap3A_303] {strides = array<i32>} : memref<20480xf32, #tpu.memory_space<vmem>>, vector<16xf32>,
        tpu.vector_store %arg7[%swap3A_303], %gather3A_297 {strides = array<i32>} : memref<20480xf32, #tpu.memory_space<vmem>>, vector<16xf32>,
        %broadcast_in_dim3A_305 = arith.constant -122 : i32
        %broadcast_in_dim3A_306 = vector.broadcast %broadcast_in_dim3A_305 : i32 to vector<16xi32>
        %add3A_307 = arith.addi %broadcast_in_dim3A, %broadcast_in_dim3A_306 : vector<16xi32>
        %mul3A_308 = arith.constant 128 : i32
        %mul3A_309 = vector.broadcast %mul3A_308 : i32 to vector<16xi32>
        %mul3A_310 = arith.muli %select_n3A, %mul3A_309 : vector<16xi32>
        %add3A_311 = arith.addi %mul3A_310, %add3A_307 : vector<16xi32>
        %gather3A_312 = tpu.vector_load_idx %arg6[%add3A_311] : memref<6400xf32, #tpu.memory_space<vmem>>[vector<16xi32>], vector<16xf32>,
        %mul3A_313 = arith.constant 16 : i32
        %mul3A_314 = arith.muli %scan3A_188, %mul3A_313 : i32
        %add3A_315 = arith.constant 15360 : i32
        %add3A_316 = arith.addi %add3A_315, %mul3A_314 : i32
        %multiple_of3A_317 = tpu.assume_multiple %add3A_316, 16 : i32
        %swap3A_318 = arith.index_cast %multiple_of3A_317 : i32 to index
        %swap3A_319 = tpu.vector_load %arg7[%swap3A_318] {strides = array<i32>} : memref<20480xf32, #tpu.memory_space<vmem>>, vector<16xf32>,
        tpu.vector_store %arg7[%swap3A_318], %gather3A_312 {strides = array<i32>} : memref<20480xf32, #tpu.memory_space<vmem>>, vector<16xf32>,
        %broadcast_in_dim3A_320 = arith.constant -121 : i32
        %broadcast_in_dim3A_321 = vector.broadcast %broadcast_in_dim3A_320 : i32 to vector<16xi32>
        %add3A_322 = arith.addi %broadcast_in_dim3A, %broadcast_in_dim3A_321 : vector<16xi32>
        %mul3A_323 = arith.constant 128 : i32
        %mul3A_324 = vector.broadcast %mul3A_323 : i32 to vector<16xi32>
        %mul3A_325 = arith.muli %select_n3A, %mul3A_324 : vector<16xi32>
        %add3A_326 = arith.addi %mul3A_325, %add3A_322 : vector<16xi32>
        %gather3A_327 = tpu.vector_load_idx %arg6[%add3A_326] : memref<6400xf32, #tpu.memory_space<vmem>>[vector<16xi32>], vector<16xf32>,
        %mul3A_328 = arith.constant 16 : i32
        %mul3A_329 = arith.muli %scan3A_188, %mul3A_328 : i32
        %add3A_330 = arith.constant 17920 : i32
        %add3A_331 = arith.addi %add3A_330, %mul3A_329 : i32
        %multiple_of3A_332 = tpu.assume_multiple %add3A_331, 16 : i32
        %swap3A_333 = arith.index_cast %multiple_of3A_332 : i32 to index
        %swap3A_334 = tpu.vector_load %arg7[%swap3A_333] {strides = array<i32>} : memref<20480xf32, #tpu.memory_space<vmem>>, vector<16xf32>,
        tpu.vector_store %arg7[%swap3A_333], %gather3A_327 {strides = array<i32>} : memref<20480xf32, #tpu.memory_space<vmem>>, vector<16xf32>,
      }
      %scan3A_187 = arith.constant 157 : i32
    } else {
    }
    %add3A_9 = arith.constant 0 : i32
    %add3A_10 = arith.addi %mul3A_2, %add3A_9 : i32
    %dma_start3A = arith.constant 0 : i32
    %dma_start3A_11 = tpu.memref_slice %arg7[%dma_start3A] : memref<20480xf32, #tpu.memory_space<vmem>> -> memref<2560xf32, #tpu.memory_space<vmem>>
    %dma_start3A_12 = arith.constant 0 : i32
    %dma_start3A_13 = tpu.memref_slice %arg4[%add3A_10, %dma_start3A_12] : memref<256x2560xf32, #tpu.memory_space<hbm>> -> memref<1x2560xf32, #tpu.memory_space<hbm>>
    %dma_start3A_14 = tpu.memref_squeeze %dma_start3A_13 : memref<1x2560xf32, #tpu.memory_space<hbm>> -> memref<2560xf32, #tpu.memory_space<hbm>>
    %dma_start3A_15 = arith.constant 0 : i32
    %dma_start3A_16 = tpu.memref_slice %arg4[%add3A_10, %dma_start3A_15] : memref<256x2560xf32, #tpu.memory_space<hbm>> -> memref<1x2560xf32, #tpu.memory_space<hbm>>
    %dma_start3A_17 = tpu.memref_squeeze %dma_start3A_16 : memref<1x2560xf32, #tpu.memory_space<hbm>> -> memref<2560xf32, #tpu.memory_space<hbm>>
    %dma_start3A_18 = arith.constant 0 : i32
    %dma_start3A_19 = tpu.memref_slice %arg7[%dma_start3A_18] : memref<20480xf32, #tpu.memory_space<vmem>> -> memref<2560xf32, #tpu.memory_space<vmem>>
    tpu.enqueue_dma source(%dma_start3A_19 : memref<2560xf32, #tpu.memory_space<vmem>>) target(%dma_start3A_17 : memref<2560xf32, #tpu.memory_space<hbm>>) target_semaphore(%arg8 : memref<!tpu.dma_semaphore, #tpu.memory_space<semaphore_mem>>)
    %add3A_20 = arith.constant 1 : i32
    %add3A_21 = arith.addi %mul3A_2, %add3A_20 : i32
    %dma_start3A_22 = arith.constant 2560 : i32
    %dma_start3A_23 = tpu.memref_slice %arg7[%dma_start3A_22] : memref<20480xf32, #tpu.memory_space<vmem>> -> memref<2560xf32, #tpu.memory_space<vmem>>
    %dma_start3A_24 = arith.constant 0 : i32
    %dma_start3A_25 = tpu.memref_slice %arg4[%add3A_21, %dma_start3A_24] : memref<256x2560xf32, #tpu.memory_space<hbm>> -> memref<1x2560xf32, #tpu.memory_space<hbm>>
    %dma_start3A_26 = tpu.memref_squeeze %dma_start3A_25 : memref<1x2560xf32, #tpu.memory_space<hbm>> -> memref<2560xf32, #tpu.memory_space<hbm>>
    %dma_start3A_27 = arith.constant 0 : i32
    %dma_start3A_28 = tpu.memref_slice %arg4[%add3A_21, %dma_start3A_27] : memref<256x2560xf32, #tpu.memory_space<hbm>> -> memref<1x2560xf32, #tpu.memory_space<hbm>>
    %dma_start3A_29 = tpu.memref_squeeze %dma_start3A_28 : memref<1x2560xf32, #tpu.memory_space<hbm>> -> memref<2560xf32, #tpu.memory_space<hbm>>
    %dma_start3A_30 = arith.constant 2560 : i32
    %dma_start3A_31 = tpu.memref_slice %arg7[%dma_start3A_30] : memref<20480xf32, #tpu.memory_space<vmem>> -> memref<2560xf32, #tpu.memory_space<vmem>>
    tpu.enqueue_dma source(%dma_start3A_31 : memref<2560xf32, #tpu.memory_space<vmem>>) target(%dma_start3A_29 : memref<2560xf32, #tpu.memory_space<hbm>>) target_semaphore(%arg8 : memref<!tpu.dma_semaphore, #tpu.memory_space<semaphore_mem>>)
    %add3A_32 = arith.constant 2 : i32
    %add3A_33 = arith.addi %mul3A_2, %add3A_32 : i32
    %dma_start3A_34 = arith.constant 5120 : i32
    %dma_start3A_35 = tpu.memref_slice %arg7[%dma_start3A_34] : memref<20480xf32, #tpu.memory_space<vmem>> -> memref<2560xf32, #tpu.memory_space<vmem>>
    %dma_start3A_36 = arith.constant 0 : i32
    %dma_start3A_37 = tpu.memref_slice %arg4[%add3A_33, %dma_start3A_36] : memref<256x2560xf32, #tpu.memory_space<hbm>> -> memref<1x2560xf32, #tpu.memory_space<hbm>>
    %dma_start3A_38 = tpu.memref_squeeze %dma_start3A_37 : memref<1x2560xf32, #tpu.memory_space<hbm>> -> memref<2560xf32, #tpu.memory_space<hbm>>
    %dma_start3A_39 = arith.constant 0 : i32
    %dma_start3A_40 = tpu.memref_slice %arg4[%add3A_33, %dma_start3A_39] : memref<256x2560xf32, #tpu.memory_space<hbm>> -> memref<1x2560xf32, #tpu.memory_space<hbm>>
    %dma_start3A_41 = tpu.memref_squeeze %dma_start3A_40 : memref<1x2560xf32, #tpu.memory_space<hbm>> -> memref<2560xf32, #tpu.memory_space<hbm>>
    %dma_start3A_42 = arith.constant 5120 : i32
    %dma_start3A_43 = tpu.memref_slice %arg7[%dma_start3A_42] : memref<20480xf32, #tpu.memory_space<vmem>> -> memref<2560xf32, #tpu.memory_space<vmem>>
    tpu.enqueue_dma source(%dma_start3A_43 : memref<2560xf32, #tpu.memory_space<vmem>>) target(%dma_start3A_41 : memref<2560xf32, #tpu.memory_space<hbm>>) target_semaphore(%arg8 : memref<!tpu.dma_semaphore, #tpu.memory_space<semaphore_mem>>)
    %add3A_44 = arith.constant 3 : i32
    %add3A_45 = arith.addi %mul3A_2, %add3A_44 : i32
    %dma_start3A_46 = arith.constant 7680 : i32
    %dma_start3A_47 = tpu.memref_slice %arg7[%dma_start3A_46] : memref<20480xf32, #tpu.memory_space<vmem>> -> memref<2560xf32, #tpu.memory_space<vmem>>
    %dma_start3A_48 = arith.constant 0 : i32
    %dma_start3A_49 = tpu.memref_slice %arg4[%add3A_45, %dma_start3A_48] : memref<256x2560xf32, #tpu.memory_space<hbm>> -> memref<1x2560xf32, #tpu.memory_space<hbm>>
    %dma_start3A_50 = tpu.memref_squeeze %dma_start3A_49 : memref<1x2560xf32, #tpu.memory_space<hbm>> -> memref<2560xf32, #tpu.memory_space<hbm>>
    %dma_start3A_51 = arith.constant 0 : i32
    %dma_start3A_52 = tpu.memref_slice %arg4[%add3A_45, %dma_start3A_51] : memref<256x2560xf32, #tpu.memory_space<hbm>> -> memref<1x2560xf32, #tpu.memory_space<hbm>>
    %dma_start3A_53 = tpu.memref_squeeze %dma_start3A_52 : memref<1x2560xf32, #tpu.memory_space<hbm>> -> memref<2560xf32, #tpu.memory_space<hbm>>
    %dma_start3A_54 = arith.constant 7680 : i32
    %dma_start3A_55 = tpu.memref_slice %arg7[%dma_start3A_54] : memref<20480xf32, #tpu.memory_space<vmem>> -> memref<2560xf32, #tpu.memory_space<vmem>>
    tpu.enqueue_dma source(%dma_start3A_55 : memref<2560xf32, #tpu.memory_space<vmem>>) target(%dma_start3A_53 : memref<2560xf32, #tpu.memory_space<hbm>>) target_semaphore(%arg8 : memref<!tpu.dma_semaphore, #tpu.memory_space<semaphore_mem>>)
    %add3A_56 = arith.constant 4 : i32
    %add3A_57 = arith.addi %mul3A_2, %add3A_56 : i32
    %dma_start3A_58 = arith.constant 10240 : i32
    %dma_start3A_59 = tpu.memref_slice %arg7[%dma_start3A_58] : memref<20480xf32, #tpu.memory_space<vmem>> -> memref<2560xf32, #tpu.memory_space<vmem>>
    %dma_start3A_60 = arith.constant 0 : i32
    %dma_start3A_61 = tpu.memref_slice %arg4[%add3A_57, %dma_start3A_60] : memref<256x2560xf32, #tpu.memory_space<hbm>> -> memref<1x2560xf32, #tpu.memory_space<hbm>>
    %dma_start3A_62 = tpu.memref_squeeze %dma_start3A_61 : memref<1x2560xf32, #tpu.memory_space<hbm>> -> memref<2560xf32, #tpu.memory_space<hbm>>
    %dma_start3A_63 = arith.constant 0 : i32
    %dma_start3A_64 = tpu.memref_slice %arg4[%add3A_57, %dma_start3A_63] : memref<256x2560xf32, #tpu.memory_space<hbm>> -> memref<1x2560xf32, #tpu.memory_space<hbm>>
    %dma_start3A_65 = tpu.memref_squeeze %dma_start3A_64 : memref<1x2560xf32, #tpu.memory_space<hbm>> -> memref<2560xf32, #tpu.memory_space<hbm>>
    %dma_start3A_66 = arith.constant 10240 : i32
    %dma_start3A_67 = tpu.memref_slice %arg7[%dma_start3A_66] : memref<20480xf32, #tpu.memory_space<vmem>> -> memref<2560xf32, #tpu.memory_space<vmem>>
    tpu.enqueue_dma source(%dma_start3A_67 : memref<2560xf32, #tpu.memory_space<vmem>>) target(%dma_start3A_65 : memref<2560xf32, #tpu.memory_space<hbm>>) target_semaphore(%arg8 : memref<!tpu.dma_semaphore, #tpu.memory_space<semaphore_mem>>)
    %add3A_68 = arith.constant 5 : i32
    %add3A_69 = arith.addi %mul3A_2, %add3A_68 : i32
    %dma_start3A_70 = arith.constant 12800 : i32
    %dma_start3A_71 = tpu.memref_slice %arg7[%dma_start3A_70] : memref<20480xf32, #tpu.memory_space<vmem>> -> memref<2560xf32, #tpu.memory_space<vmem>>
    %dma_start3A_72 = arith.constant 0 : i32
    %dma_start3A_73 = tpu.memref_slice %arg4[%add3A_69, %dma_start3A_72] : memref<256x2560xf32, #tpu.memory_space<hbm>> -> memref<1x2560xf32, #tpu.memory_space<hbm>>
    %dma_start3A_74 = tpu.memref_squeeze %dma_start3A_73 : memref<1x2560xf32, #tpu.memory_space<hbm>> -> memref<2560xf32, #tpu.memory_space<hbm>>
    %dma_start3A_75 = arith.constant 0 : i32
    %dma_start3A_76 = tpu.memref_slice %arg4[%add3A_69, %dma_start3A_75] : memref<256x2560xf32, #tpu.memory_space<hbm>> -> memref<1x2560xf32, #tpu.memory_space<hbm>>
    %dma_start3A_77 = tpu.memref_squeeze %dma_start3A_76 : memref<1x2560xf32, #tpu.memory_space<hbm>> -> memref<2560xf32, #tpu.memory_space<hbm>>
    %dma_start3A_78 = arith.constant 12800 : i32
    %dma_start3A_79 = tpu.memref_slice %arg7[%dma_start3A_78] : memref<20480xf32, #tpu.memory_space<vmem>> -> memref<2560xf32, #tpu.memory_space<vmem>>
    tpu.enqueue_dma source(%dma_start3A_79 : memref<2560xf32, #tpu.memory_space<vmem>>) target(%dma_start3A_77 : memref<2560xf32, #tpu.memory_space<hbm>>) target_semaphore(%arg8 : memref<!tpu.dma_semaphore, #tpu.memory_space<semaphore_mem>>)
    %add3A_80 = arith.constant 6 : i32
    %add3A_81 = arith.addi %mul3A_2, %add3A_80 : i32
    %dma_start3A_82 = arith.constant 15360 : i32
    %dma_start3A_83 = tpu.memref_slice %arg7[%dma_start3A_82] : memref<20480xf32, #tpu.memory_space<vmem>> -> memref<2560xf32, #tpu.memory_space<vmem>>
    %dma_start3A_84 = arith.constant 0 : i32
    %dma_start3A_85 = tpu.memref_slice %arg4[%add3A_81, %dma_start3A_84] : memref<256x2560xf32, #tpu.memory_space<hbm>> -> memref<1x2560xf32, #tpu.memory_space<hbm>>
    %dma_start3A_86 = tpu.memref_squeeze %dma_start3A_85 : memref<1x2560xf32, #tpu.memory_space<hbm>> -> memref<2560xf32, #tpu.memory_space<hbm>>
    %dma_start3A_87 = arith.constant 0 : i32
    %dma_start3A_88 = tpu.memref_slice %arg4[%add3A_81, %dma_start3A_87] : memref<256x2560xf32, #tpu.memory_space<hbm>> -> memref<1x2560xf32, #tpu.memory_space<hbm>>
    %dma_start3A_89 = tpu.memref_squeeze %dma_start3A_88 : memref<1x2560xf32, #tpu.memory_space<hbm>> -> memref<2560xf32, #tpu.memory_space<hbm>>
    %dma_start3A_90 = arith.constant 15360 : i32
    %dma_start3A_91 = tpu.memref_slice %arg7[%dma_start3A_90] : memref<20480xf32, #tpu.memory_space<vmem>> -> memref<2560xf32, #tpu.memory_space<vmem>>
    tpu.enqueue_dma source(%dma_start3A_91 : memref<2560xf32, #tpu.memory_space<vmem>>) target(%dma_start3A_89 : memref<2560xf32, #tpu.memory_space<hbm>>) target_semaphore(%arg8 : memref<!tpu.dma_semaphore, #tpu.memory_space<semaphore_mem>>)
    %add3A_92 = arith.constant 7 : i32
    %add3A_93 = arith.addi %mul3A_2, %add3A_92 : i32
    %dma_start3A_94 = arith.constant 17920 : i32
    %dma_start3A_95 = tpu.memref_slice %arg7[%dma_start3A_94] : memref<20480xf32, #tpu.memory_space<vmem>> -> memref<2560xf32, #tpu.memory_space<vmem>>
    %dma_start3A_96 = arith.constant 0 : i32
    %dma_start3A_97 = tpu.memref_slice %arg4[%add3A_93, %dma_start3A_96] : memref<256x2560xf32, #tpu.memory_space<hbm>> -> memref<1x2560xf32, #tpu.memory_space<hbm>>
    %dma_start3A_98 = tpu.memref_squeeze %dma_start3A_97 : memref<1x2560xf32, #tpu.memory_space<hbm>> -> memref<2560xf32, #tpu.memory_space<hbm>>
    %dma_start3A_99 = arith.constant 0 : i32
    %dma_start3A_100 = tpu.memref_slice %arg4[%add3A_93, %dma_start3A_99] : memref<256x2560xf32, #tpu.memory_space<hbm>> -> memref<1x2560xf32, #tpu.memory_space<hbm>>
    %dma_start3A_101 = tpu.memref_squeeze %dma_start3A_100 : memref<1x2560xf32, #tpu.memory_space<hbm>> -> memref<2560xf32, #tpu.memory_space<hbm>>
    %dma_start3A_102 = arith.constant 17920 : i32
    %dma_start3A_103 = tpu.memref_slice %arg7[%dma_start3A_102] : memref<20480xf32, #tpu.memory_space<vmem>> -> memref<2560xf32, #tpu.memory_space<vmem>>
    tpu.enqueue_dma source(%dma_start3A_103 : memref<2560xf32, #tpu.memory_space<vmem>>) target(%dma_start3A_101 : memref<2560xf32, #tpu.memory_space<hbm>>) target_semaphore(%arg8 : memref<!tpu.dma_semaphore, #tpu.memory_space<semaphore_mem>>)
    %dma_wait3A = arith.constant 0 : i32
    %dma_wait3A_104 = tpu.memref_slice %arg7[%dma_wait3A] : memref<20480xf32, #tpu.memory_space<vmem>> -> memref<2560xf32, #tpu.memory_space<vmem>>
    %dma_wait3A_105 = arith.constant 0 : i32
    %dma_wait3A_106 = tpu.memref_slice %arg4[%add3A_10, %dma_wait3A_105] : memref<256x2560xf32, #tpu.memory_space<hbm>> -> memref<1x2560xf32, #tpu.memory_space<hbm>>
    %dma_wait3A_107 = tpu.memref_squeeze %dma_wait3A_106 : memref<1x2560xf32, #tpu.memory_space<hbm>> -> memref<2560xf32, #tpu.memory_space<hbm>>
    %dma_wait3A_108 = arith.constant 0 : i32
    %dma_wait3A_109 = tpu.memref_slice %arg4[%add3A_10, %dma_wait3A_108] : memref<256x2560xf32, #tpu.memory_space<hbm>> -> memref<1x2560xf32, #tpu.memory_space<hbm>>
    %dma_wait3A_110 = tpu.memref_squeeze %dma_wait3A_109 : memref<1x2560xf32, #tpu.memory_space<hbm>> -> memref<2560xf32, #tpu.memory_space<hbm>>
    %dma_wait3A_111 = arith.constant 0 : i32
    %dma_wait3A_112 = tpu.memref_slice %arg7[%dma_wait3A_111] : memref<20480xf32, #tpu.memory_space<vmem>> -> memref<2560xf32, #tpu.memory_space<vmem>>
    tpu.wait_dma2 semaphore(%arg8 : memref<!tpu.dma_semaphore, #tpu.memory_space<semaphore_mem>>) src(%dma_wait3A_112 : memref<2560xf32, #tpu.memory_space<vmem>>) dst(%dma_wait3A_110 : memref<2560xf32, #tpu.memory_space<hbm>>)
    %dma_wait3A_113 = arith.constant 2560 : i32
    %dma_wait3A_114 = tpu.memref_slice %arg7[%dma_wait3A_113] : memref<20480xf32, #tpu.memory_space<vmem>> -> memref<2560xf32, #tpu.memory_space<vmem>>
    %dma_wait3A_115 = arith.constant 0 : i32
    %dma_wait3A_116 = tpu.memref_slice %arg4[%add3A_21, %dma_wait3A_115] : memref<256x2560xf32, #tpu.memory_space<hbm>> -> memref<1x2560xf32, #tpu.memory_space<hbm>>
    %dma_wait3A_117 = tpu.memref_squeeze %dma_wait3A_116 : memref<1x2560xf32, #tpu.memory_space<hbm>> -> memref<2560xf32, #tpu.memory_space<hbm>>
    %dma_wait3A_118 = arith.constant 0 : i32
    %dma_wait3A_119 = tpu.memref_slice %arg4[%add3A_21, %dma_wait3A_118] : memref<256x2560xf32, #tpu.memory_space<hbm>> -> memref<1x2560xf32, #tpu.memory_space<hbm>>
    %dma_wait3A_120 = tpu.memref_squeeze %dma_wait3A_119 : memref<1x2560xf32, #tpu.memory_space<hbm>> -> memref<2560xf32, #tpu.memory_space<hbm>>
    %dma_wait3A_121 = arith.constant 2560 : i32
    %dma_wait3A_122 = tpu.memref_slice %arg7[%dma_wait3A_121] : memref<20480xf32, #tpu.memory_space<vmem>> -> memref<2560xf32, #tpu.memory_space<vmem>>
    tpu.wait_dma2 semaphore(%arg8 : memref<!tpu.dma_semaphore, #tpu.memory_space<semaphore_mem>>) src(%dma_wait3A_122 : memref<2560xf32, #tpu.memory_space<vmem>>) dst(%dma_wait3A_120 : memref<2560xf32, #tpu.memory_space<hbm>>)
    %dma_wait3A_123 = arith.constant 5120 : i32
    %dma_wait3A_124 = tpu.memref_slice %arg7[%dma_wait3A_123] : memref<20480xf32, #tpu.memory_space<vmem>> -> memref<2560xf32, #tpu.memory_space<vmem>>
    %dma_wait3A_125 = arith.constant 0 : i32
    %dma_wait3A_126 = tpu.memref_slice %arg4[%add3A_33, %dma_wait3A_125] : memref<256x2560xf32, #tpu.memory_space<hbm>> -> memref<1x2560xf32, #tpu.memory_space<hbm>>
    %dma_wait3A_127 = tpu.memref_squeeze %dma_wait3A_126 : memref<1x2560xf32, #tpu.memory_space<hbm>> -> memref<2560xf32, #tpu.memory_space<hbm>>
    %dma_wait3A_128 = arith.constant 0 : i32
    %dma_wait3A_129 = tpu.memref_slice %arg4[%add3A_33, %dma_wait3A_128] : memref<256x2560xf32, #tpu.memory_space<hbm>> -> memref<1x2560xf32, #tpu.memory_space<hbm>>
    %dma_wait3A_130 = tpu.memref_squeeze %dma_wait3A_129 : memref<1x2560xf32, #tpu.memory_space<hbm>> -> memref<2560xf32, #tpu.memory_space<hbm>>
    %dma_wait3A_131 = arith.constant 5120 : i32
    %dma_wait3A_132 = tpu.memref_slice %arg7[%dma_wait3A_131] : memref<20480xf32, #tpu.memory_space<vmem>> -> memref<2560xf32, #tpu.memory_space<vmem>>
    tpu.wait_dma2 semaphore(%arg8 : memref<!tpu.dma_semaphore, #tpu.memory_space<semaphore_mem>>) src(%dma_wait3A_132 : memref<2560xf32, #tpu.memory_space<vmem>>) dst(%dma_wait3A_130 : memref<2560xf32, #tpu.memory_space<hbm>>)
    %dma_wait3A_133 = arith.constant 7680 : i32
    %dma_wait3A_134 = tpu.memref_slice %arg7[%dma_wait3A_133] : memref<20480xf32, #tpu.memory_space<vmem>> -> memref<2560xf32, #tpu.memory_space<vmem>>
    %dma_wait3A_135 = arith.constant 0 : i32
    %dma_wait3A_136 = tpu.memref_slice %arg4[%add3A_45, %dma_wait3A_135] : memref<256x2560xf32, #tpu.memory_space<hbm>> -> memref<1x2560xf32, #tpu.memory_space<hbm>>
    %dma_wait3A_137 = tpu.memref_squeeze %dma_wait3A_136 : memref<1x2560xf32, #tpu.memory_space<hbm>> -> memref<2560xf32, #tpu.memory_space<hbm>>
    %dma_wait3A_138 = arith.constant 0 : i32
    %dma_wait3A_139 = tpu.memref_slice %arg4[%add3A_45, %dma_wait3A_138] : memref<256x2560xf32, #tpu.memory_space<hbm>> -> memref<1x2560xf32, #tpu.memory_space<hbm>>
    %dma_wait3A_140 = tpu.memref_squeeze %dma_wait3A_139 : memref<1x2560xf32, #tpu.memory_space<hbm>> -> memref<2560xf32, #tpu.memory_space<hbm>>
    %dma_wait3A_141 = arith.constant 7680 : i32
    %dma_wait3A_142 = tpu.memref_slice %arg7[%dma_wait3A_141] : memref<20480xf32, #tpu.memory_space<vmem>> -> memref<2560xf32, #tpu.memory_space<vmem>>
    tpu.wait_dma2 semaphore(%arg8 : memref<!tpu.dma_semaphore, #tpu.memory_space<semaphore_mem>>) src(%dma_wait3A_142 : memref<2560xf32, #tpu.memory_space<vmem>>) dst(%dma_wait3A_140 : memref<2560xf32, #tpu.memory_space<hbm>>)
    %dma_wait3A_143 = arith.constant 10240 : i32
    %dma_wait3A_144 = tpu.memref_slice %arg7[%dma_wait3A_143] : memref<20480xf32, #tpu.memory_space<vmem>> -> memref<2560xf32, #tpu.memory_space<vmem>>
    %dma_wait3A_145 = arith.constant 0 : i32
    %dma_wait3A_146 = tpu.memref_slice %arg4[%add3A_57, %dma_wait3A_145] : memref<256x2560xf32, #tpu.memory_space<hbm>> -> memref<1x2560xf32, #tpu.memory_space<hbm>>
    %dma_wait3A_147 = tpu.memref_squeeze %dma_wait3A_146 : memref<1x2560xf32, #tpu.memory_space<hbm>> -> memref<2560xf32, #tpu.memory_space<hbm>>
    %dma_wait3A_148 = arith.constant 0 : i32
    %dma_wait3A_149 = tpu.memref_slice %arg4[%add3A_57, %dma_wait3A_148] : memref<256x2560xf32, #tpu.memory_space<hbm>> -> memref<1x2560xf32, #tpu.memory_space<hbm>>
    %dma_wait3A_150 = tpu.memref_squeeze %dma_wait3A_149 : memref<1x2560xf32, #tpu.memory_space<hbm>> -> memref<2560xf32, #tpu.memory_space<hbm>>
    %dma_wait3A_151 = arith.constant 10240 : i32
    %dma_wait3A_152 = tpu.memref_slice %arg7[%dma_wait3A_151] : memref<20480xf32, #tpu.memory_space<vmem>> -> memref<2560xf32, #tpu.memory_space<vmem>>
    tpu.wait_dma2 semaphore(%arg8 : memref<!tpu.dma_semaphore, #tpu.memory_space<semaphore_mem>>) src(%dma_wait3A_152 : memref<2560xf32, #tpu.memory_space<vmem>>) dst(%dma_wait3A_150 : memref<2560xf32, #tpu.memory_space<hbm>>)
    %dma_wait3A_153 = arith.constant 12800 : i32
    %dma_wait3A_154 = tpu.memref_slice %arg7[%dma_wait3A_153] : memref<20480xf32, #tpu.memory_space<vmem>> -> memref<2560xf32, #tpu.memory_space<vmem>>
    %dma_wait3A_155 = arith.constant 0 : i32
    %dma_wait3A_156 = tpu.memref_slice %arg4[%add3A_69, %dma_wait3A_155] : memref<256x2560xf32, #tpu.memory_space<hbm>> -> memref<1x2560xf32, #tpu.memory_space<hbm>>
    %dma_wait3A_157 = tpu.memref_squeeze %dma_wait3A_156 : memref<1x2560xf32, #tpu.memory_space<hbm>> -> memref<2560xf32, #tpu.memory_space<hbm>>
    %dma_wait3A_158 = arith.constant 0 : i32
    %dma_wait3A_159 = tpu.memref_slice %arg4[%add3A_69, %dma_wait3A_158] : memref<256x2560xf32, #tpu.memory_space<hbm>> -> memref<1x2560xf32, #tpu.memory_space<hbm>>
    %dma_wait3A_160 = tpu.memref_squeeze %dma_wait3A_159 : memref<1x2560xf32, #tpu.memory_space<hbm>> -> memref<2560xf32, #tpu.memory_space<hbm>>
    %dma_wait3A_161 = arith.constant 12800 : i32
    %dma_wait3A_162 = tpu.memref_slice %arg7[%dma_wait3A_161] : memref<20480xf32, #tpu.memory_space<vmem>> -> memref<2560xf32, #tpu.memory_space<vmem>>
    tpu.wait_dma2 semaphore(%arg8 : memref<!tpu.dma_semaphore, #tpu.memory_space<semaphore_mem>>) src(%dma_wait3A_162 : memref<2560xf32, #tpu.memory_space<vmem>>) dst(%dma_wait3A_160 : memref<2560xf32, #tpu.memory_space<hbm>>)
    %dma_wait3A_163 = arith.constant 15360 : i32
    %dma_wait3A_164 = tpu.memref_slice %arg7[%dma_wait3A_163] : memref<20480xf32, #tpu.memory_space<vmem>> -> memref<2560xf32, #tpu.memory_space<vmem>>
    %dma_wait3A_165 = arith.constant 0 : i32
    %dma_wait3A_166 = tpu.memref_slice %arg4[%add3A_81, %dma_wait3A_165] : memref<256x2560xf32, #tpu.memory_space<hbm>> -> memref<1x2560xf32, #tpu.memory_space<hbm>>
    %dma_wait3A_167 = tpu.memref_squeeze %dma_wait3A_166 : memref<1x2560xf32, #tpu.memory_space<hbm>> -> memref<2560xf32, #tpu.memory_space<hbm>>
    %dma_wait3A_168 = arith.constant 0 : i32
    %dma_wait3A_169 = tpu.memref_slice %arg4[%add3A_81, %dma_wait3A_168] : memref<256x2560xf32, #tpu.memory_space<hbm>> -> memref<1x2560xf32, #tpu.memory_space<hbm>>
    %dma_wait3A_170 = tpu.memref_squeeze %dma_wait3A_169 : memref<1x2560xf32, #tpu.memory_space<hbm>> -> memref<2560xf32, #tpu.memory_space<hbm>>
    %dma_wait3A_171 = arith.constant 15360 : i32
    %dma_wait3A_172 = tpu.memref_slice %arg7[%dma_wait3A_171] : memref<20480xf32, #tpu.memory_space<vmem>> -> memref<2560xf32, #tpu.memory_space<vmem>>
    tpu.wait_dma2 semaphore(%arg8 : memref<!tpu.dma_semaphore, #tpu.memory_space<semaphore_mem>>) src(%dma_wait3A_172 : memref<2560xf32, #tpu.memory_space<vmem>>) dst(%dma_wait3A_170 : memref<2560xf32, #tpu.memory_space<hbm>>)
    %dma_wait3A_173 = arith.constant 17920 : i32
    %dma_wait3A_174 = tpu.memref_slice %arg7[%dma_wait3A_173] : memref<20480xf32, #tpu.memory_space<vmem>> -> memref<2560xf32, #tpu.memory_space<vmem>>
    %dma_wait3A_175 = arith.constant 0 : i32
    %dma_wait3A_176 = tpu.memref_slice %arg4[%add3A_93, %dma_wait3A_175] : memref<256x2560xf32, #tpu.memory_space<hbm>> -> memref<1x2560xf32, #tpu.memory_space<hbm>>
    %dma_wait3A_177 = tpu.memref_squeeze %dma_wait3A_176 : memref<1x2560xf32, #tpu.memory_space<hbm>> -> memref<2560xf32, #tpu.memory_space<hbm>>
    %dma_wait3A_178 = arith.constant 0 : i32
    %dma_wait3A_179 = tpu.memref_slice %arg4[%add3A_93, %dma_wait3A_178] : memref<256x2560xf32, #tpu.memory_space<hbm>> -> memref<1x2560xf32, #tpu.memory_space<hbm>>
    %dma_wait3A_180 = tpu.memref_squeeze %dma_wait3A_179 : memref<1x2560xf32, #tpu.memory_space<hbm>> -> memref<2560xf32, #tpu.memory_space<hbm>>
    %dma_wait3A_181 = arith.constant 17920 : i32
    %dma_wait3A_182 = tpu.memref_slice %arg7[%dma_wait3A_181] : memref<20480xf32, #tpu.memory_space<vmem>> -> memref<2560xf32, #tpu.memory_space<vmem>>
    tpu.wait_dma2 semaphore(%arg8 : memref<!tpu.dma_semaphore, #tpu.memory_space<semaphore_mem>>) src(%dma_wait3A_182 : memref<2560xf32, #tpu.memory_space<vmem>>) dst(%dma_wait3A_180 : memref<2560xf32, #tpu.memory_space<hbm>>)
    return
  }
}

module attributes {stable_mosaic.version = 14 : i64} {
  func.func @_tc_body(%arg0: memref<256x2560xf32, #tpu.memory_space<vmem>>, %arg1: memref<32x256x2500xf32, #tpu.memory_space<any>>, %arg2: memref<256x2500xf32, #tpu.memory_space<vmem>>, %arg3: memref<!tpu.dma_semaphore, #tpu.memory_space<semaphore_mem>>, %arg4: memref<!tpu.dma_semaphore, #tpu.memory_space<semaphore_mem>>) attributes {dimension_semantics = [], scalar_prefetch = 0 : i64, scratch_operands = 3 : i64, tpu.core_type = #tpu.core_type<tc>} {
    %get3A = arith.constant 0 : index
    %get3A_0 = arith.constant 0 : index
    %get3A_1 = vector.load %arg0[%get3A, %get3A_0] : memref<256x2560xf32, #tpu.memory_space<vmem>>, vector<256x2500xf32>
    %swap3A = arith.constant 0 : index
    %swap3A_2 = arith.constant 0 : index
    %swap3A_3 = vector.load %arg2[%swap3A, %swap3A_2] : memref<256x2500xf32, #tpu.memory_space<vmem>>, vector<256x2500xf32>
    tpu.vector_store %arg2[%swap3A, %swap3A_2], %get3A_1 {strides = array<i32>} : memref<256x2500xf32, #tpu.memory_space<vmem>>, vector<256x2500xf32>,
    %dma_start3A = arith.constant 0 : i32
    %dma_start3A_4 = arith.constant 0 : i32
    %dma_start3A_5 = arith.constant 0 : i32
    %dma_start3A_6 = tpu.memref_slice %arg1[%dma_start3A, %dma_start3A_4, %dma_start3A_5] : memref<32x256x2500xf32, #tpu.memory_space<any>> -> memref<1x256x2500xf32, #tpu.memory_space<any>>
    %dma_start3A_7 = tpu.memref_squeeze %dma_start3A_6 : memref<1x256x2500xf32, #tpu.memory_space<any>> -> memref<256x2500xf32, #tpu.memory_space<any>>
    tpu.enqueue_dma source(%arg2 : memref<256x2500xf32, #tpu.memory_space<vmem>>) target(%dma_start3A_7 : memref<256x2500xf32, #tpu.memory_space<any>>) target_semaphore(%arg3 : memref<!tpu.dma_semaphore, #tpu.memory_space<semaphore_mem>>)
    %dma_start3A_8 = arith.constant 1 : i32
    %dma_start3A_9 = arith.constant 0 : i32
    %dma_start3A_10 = arith.constant 0 : i32
    %dma_start3A_11 = tpu.memref_slice %arg1[%dma_start3A_8, %dma_start3A_9, %dma_start3A_10] : memref<32x256x2500xf32, #tpu.memory_space<any>> -> memref<1x256x2500xf32, #tpu.memory_space<any>>
    %dma_start3A_12 = tpu.memref_squeeze %dma_start3A_11 : memref<1x256x2500xf32, #tpu.memory_space<any>> -> memref<256x2500xf32, #tpu.memory_space<any>>
    tpu.enqueue_dma source(%arg2 : memref<256x2500xf32, #tpu.memory_space<vmem>>) target(%dma_start3A_12 : memref<256x2500xf32, #tpu.memory_space<any>>) target_semaphore(%arg4 : memref<!tpu.dma_semaphore, #tpu.memory_space<semaphore_mem>>) {priority = 1 : i32}
    %dma_start3A_13 = arith.constant 2 : i32
    %dma_start3A_14 = arith.constant 0 : i32
    %dma_start3A_15 = arith.constant 0 : i32
    %dma_start3A_16 = tpu.memref_slice %arg1[%dma_start3A_13, %dma_start3A_14, %dma_start3A_15] : memref<32x256x2500xf32, #tpu.memory_space<any>> -> memref<1x256x2500xf32, #tpu.memory_space<any>>
    %dma_start3A_17 = tpu.memref_squeeze %dma_start3A_16 : memref<1x256x2500xf32, #tpu.memory_space<any>> -> memref<256x2500xf32, #tpu.memory_space<any>>
    tpu.enqueue_dma source(%arg2 : memref<256x2500xf32, #tpu.memory_space<vmem>>) target(%dma_start3A_17 : memref<256x2500xf32, #tpu.memory_space<any>>) target_semaphore(%arg3 : memref<!tpu.dma_semaphore, #tpu.memory_space<semaphore_mem>>)
    %dma_start3A_18 = arith.constant 3 : i32
    %dma_start3A_19 = arith.constant 0 : i32
    %dma_start3A_20 = arith.constant 0 : i32
    %dma_start3A_21 = tpu.memref_slice %arg1[%dma_start3A_18, %dma_start3A_19, %dma_start3A_20] : memref<32x256x2500xf32, #tpu.memory_space<any>> -> memref<1x256x2500xf32, #tpu.memory_space<any>>
    %dma_start3A_22 = tpu.memref_squeeze %dma_start3A_21 : memref<1x256x2500xf32, #tpu.memory_space<any>> -> memref<256x2500xf32, #tpu.memory_space<any>>
    tpu.enqueue_dma source(%arg2 : memref<256x2500xf32, #tpu.memory_space<vmem>>) target(%dma_start3A_22 : memref<256x2500xf32, #tpu.memory_space<any>>) target_semaphore(%arg4 : memref<!tpu.dma_semaphore, #tpu.memory_space<semaphore_mem>>) {priority = 1 : i32}
    %dma_start3A_23 = arith.constant 4 : i32
    %dma_start3A_24 = arith.constant 0 : i32
    %dma_start3A_25 = arith.constant 0 : i32
    %dma_start3A_26 = tpu.memref_slice %arg1[%dma_start3A_23, %dma_start3A_24, %dma_start3A_25] : memref<32x256x2500xf32, #tpu.memory_space<any>> -> memref<1x256x2500xf32, #tpu.memory_space<any>>
    %dma_start3A_27 = tpu.memref_squeeze %dma_start3A_26 : memref<1x256x2500xf32, #tpu.memory_space<any>> -> memref<256x2500xf32, #tpu.memory_space<any>>
    tpu.enqueue_dma source(%arg2 : memref<256x2500xf32, #tpu.memory_space<vmem>>) target(%dma_start3A_27 : memref<256x2500xf32, #tpu.memory_space<any>>) target_semaphore(%arg3 : memref<!tpu.dma_semaphore, #tpu.memory_space<semaphore_mem>>)
    %dma_start3A_28 = arith.constant 5 : i32
    %dma_start3A_29 = arith.constant 0 : i32
    %dma_start3A_30 = arith.constant 0 : i32
    %dma_start3A_31 = tpu.memref_slice %arg1[%dma_start3A_28, %dma_start3A_29, %dma_start3A_30] : memref<32x256x2500xf32, #tpu.memory_space<any>> -> memref<1x256x2500xf32, #tpu.memory_space<any>>
    %dma_start3A_32 = tpu.memref_squeeze %dma_start3A_31 : memref<1x256x2500xf32, #tpu.memory_space<any>> -> memref<256x2500xf32, #tpu.memory_space<any>>
    tpu.enqueue_dma source(%arg2 : memref<256x2500xf32, #tpu.memory_space<vmem>>) target(%dma_start3A_32 : memref<256x2500xf32, #tpu.memory_space<any>>) target_semaphore(%arg4 : memref<!tpu.dma_semaphore, #tpu.memory_space<semaphore_mem>>) {priority = 1 : i32}
    %dma_start3A_33 = arith.constant 6 : i32
    %dma_start3A_34 = arith.constant 0 : i32
    %dma_start3A_35 = arith.constant 0 : i32
    %dma_start3A_36 = tpu.memref_slice %arg1[%dma_start3A_33, %dma_start3A_34, %dma_start3A_35] : memref<32x256x2500xf32, #tpu.memory_space<any>> -> memref<1x256x2500xf32, #tpu.memory_space<any>>
    %dma_start3A_37 = tpu.memref_squeeze %dma_start3A_36 : memref<1x256x2500xf32, #tpu.memory_space<any>> -> memref<256x2500xf32, #tpu.memory_space<any>>
    tpu.enqueue_dma source(%arg2 : memref<256x2500xf32, #tpu.memory_space<vmem>>) target(%dma_start3A_37 : memref<256x2500xf32, #tpu.memory_space<any>>) target_semaphore(%arg3 : memref<!tpu.dma_semaphore, #tpu.memory_space<semaphore_mem>>)
    %dma_start3A_38 = arith.constant 7 : i32
    %dma_start3A_39 = arith.constant 0 : i32
    %dma_start3A_40 = arith.constant 0 : i32
    %dma_start3A_41 = tpu.memref_slice %arg1[%dma_start3A_38, %dma_start3A_39, %dma_start3A_40] : memref<32x256x2500xf32, #tpu.memory_space<any>> -> memref<1x256x2500xf32, #tpu.memory_space<any>>
    %dma_start3A_42 = tpu.memref_squeeze %dma_start3A_41 : memref<1x256x2500xf32, #tpu.memory_space<any>> -> memref<256x2500xf32, #tpu.memory_space<any>>
    tpu.enqueue_dma source(%arg2 : memref<256x2500xf32, #tpu.memory_space<vmem>>) target(%dma_start3A_42 : memref<256x2500xf32, #tpu.memory_space<any>>) target_semaphore(%arg4 : memref<!tpu.dma_semaphore, #tpu.memory_space<semaphore_mem>>) {priority = 1 : i32}
    %dma_start3A_43 = arith.constant 8 : i32
    %dma_start3A_44 = arith.constant 0 : i32
    %dma_start3A_45 = arith.constant 0 : i32
    %dma_start3A_46 = tpu.memref_slice %arg1[%dma_start3A_43, %dma_start3A_44, %dma_start3A_45] : memref<32x256x2500xf32, #tpu.memory_space<any>> -> memref<1x256x2500xf32, #tpu.memory_space<any>>
    %dma_start3A_47 = tpu.memref_squeeze %dma_start3A_46 : memref<1x256x2500xf32, #tpu.memory_space<any>> -> memref<256x2500xf32, #tpu.memory_space<any>>
    tpu.enqueue_dma source(%arg2 : memref<256x2500xf32, #tpu.memory_space<vmem>>) target(%dma_start3A_47 : memref<256x2500xf32, #tpu.memory_space<any>>) target_semaphore(%arg3 : memref<!tpu.dma_semaphore, #tpu.memory_space<semaphore_mem>>)
    %dma_start3A_48 = arith.constant 9 : i32
    %dma_start3A_49 = arith.constant 0 : i32
    %dma_start3A_50 = arith.constant 0 : i32
    %dma_start3A_51 = tpu.memref_slice %arg1[%dma_start3A_48, %dma_start3A_49, %dma_start3A_50] : memref<32x256x2500xf32, #tpu.memory_space<any>> -> memref<1x256x2500xf32, #tpu.memory_space<any>>
    %dma_start3A_52 = tpu.memref_squeeze %dma_start3A_51 : memref<1x256x2500xf32, #tpu.memory_space<any>> -> memref<256x2500xf32, #tpu.memory_space<any>>
    tpu.enqueue_dma source(%arg2 : memref<256x2500xf32, #tpu.memory_space<vmem>>) target(%dma_start3A_52 : memref<256x2500xf32, #tpu.memory_space<any>>) target_semaphore(%arg4 : memref<!tpu.dma_semaphore, #tpu.memory_space<semaphore_mem>>) {priority = 1 : i32}
    %dma_start3A_53 = arith.constant 10 : i32
    %dma_start3A_54 = arith.constant 0 : i32
    %dma_start3A_55 = arith.constant 0 : i32
    %dma_start3A_56 = tpu.memref_slice %arg1[%dma_start3A_53, %dma_start3A_54, %dma_start3A_55] : memref<32x256x2500xf32, #tpu.memory_space<any>> -> memref<1x256x2500xf32, #tpu.memory_space<any>>
    %dma_start3A_57 = tpu.memref_squeeze %dma_start3A_56 : memref<1x256x2500xf32, #tpu.memory_space<any>> -> memref<256x2500xf32, #tpu.memory_space<any>>
    tpu.enqueue_dma source(%arg2 : memref<256x2500xf32, #tpu.memory_space<vmem>>) target(%dma_start3A_57 : memref<256x2500xf32, #tpu.memory_space<any>>) target_semaphore(%arg3 : memref<!tpu.dma_semaphore, #tpu.memory_space<semaphore_mem>>)
    %dma_start3A_58 = arith.constant 11 : i32
    %dma_start3A_59 = arith.constant 0 : i32
    %dma_start3A_60 = arith.constant 0 : i32
    %dma_start3A_61 = tpu.memref_slice %arg1[%dma_start3A_58, %dma_start3A_59, %dma_start3A_60] : memref<32x256x2500xf32, #tpu.memory_space<any>> -> memref<1x256x2500xf32, #tpu.memory_space<any>>
    %dma_start3A_62 = tpu.memref_squeeze %dma_start3A_61 : memref<1x256x2500xf32, #tpu.memory_space<any>> -> memref<256x2500xf32, #tpu.memory_space<any>>
    tpu.enqueue_dma source(%arg2 : memref<256x2500xf32, #tpu.memory_space<vmem>>) target(%dma_start3A_62 : memref<256x2500xf32, #tpu.memory_space<any>>) target_semaphore(%arg4 : memref<!tpu.dma_semaphore, #tpu.memory_space<semaphore_mem>>) {priority = 1 : i32}
    %dma_start3A_63 = arith.constant 12 : i32
    %dma_start3A_64 = arith.constant 0 : i32
    %dma_start3A_65 = arith.constant 0 : i32
    %dma_start3A_66 = tpu.memref_slice %arg1[%dma_start3A_63, %dma_start3A_64, %dma_start3A_65] : memref<32x256x2500xf32, #tpu.memory_space<any>> -> memref<1x256x2500xf32, #tpu.memory_space<any>>
    %dma_start3A_67 = tpu.memref_squeeze %dma_start3A_66 : memref<1x256x2500xf32, #tpu.memory_space<any>> -> memref<256x2500xf32, #tpu.memory_space<any>>
    tpu.enqueue_dma source(%arg2 : memref<256x2500xf32, #tpu.memory_space<vmem>>) target(%dma_start3A_67 : memref<256x2500xf32, #tpu.memory_space<any>>) target_semaphore(%arg3 : memref<!tpu.dma_semaphore, #tpu.memory_space<semaphore_mem>>)
    %dma_start3A_68 = arith.constant 13 : i32
    %dma_start3A_69 = arith.constant 0 : i32
    %dma_start3A_70 = arith.constant 0 : i32
    %dma_start3A_71 = tpu.memref_slice %arg1[%dma_start3A_68, %dma_start3A_69, %dma_start3A_70] : memref<32x256x2500xf32, #tpu.memory_space<any>> -> memref<1x256x2500xf32, #tpu.memory_space<any>>
    %dma_start3A_72 = tpu.memref_squeeze %dma_start3A_71 : memref<1x256x2500xf32, #tpu.memory_space<any>> -> memref<256x2500xf32, #tpu.memory_space<any>>
    tpu.enqueue_dma source(%arg2 : memref<256x2500xf32, #tpu.memory_space<vmem>>) target(%dma_start3A_72 : memref<256x2500xf32, #tpu.memory_space<any>>) target_semaphore(%arg4 : memref<!tpu.dma_semaphore, #tpu.memory_space<semaphore_mem>>) {priority = 1 : i32}
    %dma_start3A_73 = arith.constant 14 : i32
    %dma_start3A_74 = arith.constant 0 : i32
    %dma_start3A_75 = arith.constant 0 : i32
    %dma_start3A_76 = tpu.memref_slice %arg1[%dma_start3A_73, %dma_start3A_74, %dma_start3A_75] : memref<32x256x2500xf32, #tpu.memory_space<any>> -> memref<1x256x2500xf32, #tpu.memory_space<any>>
    %dma_start3A_77 = tpu.memref_squeeze %dma_start3A_76 : memref<1x256x2500xf32, #tpu.memory_space<any>> -> memref<256x2500xf32, #tpu.memory_space<any>>
    tpu.enqueue_dma source(%arg2 : memref<256x2500xf32, #tpu.memory_space<vmem>>) target(%dma_start3A_77 : memref<256x2500xf32, #tpu.memory_space<any>>) target_semaphore(%arg3 : memref<!tpu.dma_semaphore, #tpu.memory_space<semaphore_mem>>)
    %dma_start3A_78 = arith.constant 15 : i32
    %dma_start3A_79 = arith.constant 0 : i32
    %dma_start3A_80 = arith.constant 0 : i32
    %dma_start3A_81 = tpu.memref_slice %arg1[%dma_start3A_78, %dma_start3A_79, %dma_start3A_80] : memref<32x256x2500xf32, #tpu.memory_space<any>> -> memref<1x256x2500xf32, #tpu.memory_space<any>>
    %dma_start3A_82 = tpu.memref_squeeze %dma_start3A_81 : memref<1x256x2500xf32, #tpu.memory_space<any>> -> memref<256x2500xf32, #tpu.memory_space<any>>
    tpu.enqueue_dma source(%arg2 : memref<256x2500xf32, #tpu.memory_space<vmem>>) target(%dma_start3A_82 : memref<256x2500xf32, #tpu.memory_space<any>>) target_semaphore(%arg4 : memref<!tpu.dma_semaphore, #tpu.memory_space<semaphore_mem>>) {priority = 1 : i32}
    %dma_start3A_83 = arith.constant 16 : i32
    %dma_start3A_84 = arith.constant 0 : i32
    %dma_start3A_85 = arith.constant 0 : i32
    %dma_start3A_86 = tpu.memref_slice %arg1[%dma_start3A_83, %dma_start3A_84, %dma_start3A_85] : memref<32x256x2500xf32, #tpu.memory_space<any>> -> memref<1x256x2500xf32, #tpu.memory_space<any>>
    %dma_start3A_87 = tpu.memref_squeeze %dma_start3A_86 : memref<1x256x2500xf32, #tpu.memory_space<any>> -> memref<256x2500xf32, #tpu.memory_space<any>>
    tpu.enqueue_dma source(%arg2 : memref<256x2500xf32, #tpu.memory_space<vmem>>) target(%dma_start3A_87 : memref<256x2500xf32, #tpu.memory_space<any>>) target_semaphore(%arg3 : memref<!tpu.dma_semaphore, #tpu.memory_space<semaphore_mem>>)
    %dma_start3A_88 = arith.constant 17 : i32
    %dma_start3A_89 = arith.constant 0 : i32
    %dma_start3A_90 = arith.constant 0 : i32
    %dma_start3A_91 = tpu.memref_slice %arg1[%dma_start3A_88, %dma_start3A_89, %dma_start3A_90] : memref<32x256x2500xf32, #tpu.memory_space<any>> -> memref<1x256x2500xf32, #tpu.memory_space<any>>
    %dma_start3A_92 = tpu.memref_squeeze %dma_start3A_91 : memref<1x256x2500xf32, #tpu.memory_space<any>> -> memref<256x2500xf32, #tpu.memory_space<any>>
    tpu.enqueue_dma source(%arg2 : memref<256x2500xf32, #tpu.memory_space<vmem>>) target(%dma_start3A_92 : memref<256x2500xf32, #tpu.memory_space<any>>) target_semaphore(%arg4 : memref<!tpu.dma_semaphore, #tpu.memory_space<semaphore_mem>>) {priority = 1 : i32}
    %dma_start3A_93 = arith.constant 18 : i32
    %dma_start3A_94 = arith.constant 0 : i32
    %dma_start3A_95 = arith.constant 0 : i32
    %dma_start3A_96 = tpu.memref_slice %arg1[%dma_start3A_93, %dma_start3A_94, %dma_start3A_95] : memref<32x256x2500xf32, #tpu.memory_space<any>> -> memref<1x256x2500xf32, #tpu.memory_space<any>>
    %dma_start3A_97 = tpu.memref_squeeze %dma_start3A_96 : memref<1x256x2500xf32, #tpu.memory_space<any>> -> memref<256x2500xf32, #tpu.memory_space<any>>
    tpu.enqueue_dma source(%arg2 : memref<256x2500xf32, #tpu.memory_space<vmem>>) target(%dma_start3A_97 : memref<256x2500xf32, #tpu.memory_space<any>>) target_semaphore(%arg3 : memref<!tpu.dma_semaphore, #tpu.memory_space<semaphore_mem>>)
    %dma_start3A_98 = arith.constant 19 : i32
    %dma_start3A_99 = arith.constant 0 : i32
    %dma_start3A_100 = arith.constant 0 : i32
    %dma_start3A_101 = tpu.memref_slice %arg1[%dma_start3A_98, %dma_start3A_99, %dma_start3A_100] : memref<32x256x2500xf32, #tpu.memory_space<any>> -> memref<1x256x2500xf32, #tpu.memory_space<any>>
    %dma_start3A_102 = tpu.memref_squeeze %dma_start3A_101 : memref<1x256x2500xf32, #tpu.memory_space<any>> -> memref<256x2500xf32, #tpu.memory_space<any>>
    tpu.enqueue_dma source(%arg2 : memref<256x2500xf32, #tpu.memory_space<vmem>>) target(%dma_start3A_102 : memref<256x2500xf32, #tpu.memory_space<any>>) target_semaphore(%arg4 : memref<!tpu.dma_semaphore, #tpu.memory_space<semaphore_mem>>) {priority = 1 : i32}
    %dma_start3A_103 = arith.constant 20 : i32
    %dma_start3A_104 = arith.constant 0 : i32
    %dma_start3A_105 = arith.constant 0 : i32
    %dma_start3A_106 = tpu.memref_slice %arg1[%dma_start3A_103, %dma_start3A_104, %dma_start3A_105] : memref<32x256x2500xf32, #tpu.memory_space<any>> -> memref<1x256x2500xf32, #tpu.memory_space<any>>
    %dma_start3A_107 = tpu.memref_squeeze %dma_start3A_106 : memref<1x256x2500xf32, #tpu.memory_space<any>> -> memref<256x2500xf32, #tpu.memory_space<any>>
    tpu.enqueue_dma source(%arg2 : memref<256x2500xf32, #tpu.memory_space<vmem>>) target(%dma_start3A_107 : memref<256x2500xf32, #tpu.memory_space<any>>) target_semaphore(%arg3 : memref<!tpu.dma_semaphore, #tpu.memory_space<semaphore_mem>>)
    %dma_start3A_108 = arith.constant 21 : i32
    %dma_start3A_109 = arith.constant 0 : i32
    %dma_start3A_110 = arith.constant 0 : i32
    %dma_start3A_111 = tpu.memref_slice %arg1[%dma_start3A_108, %dma_start3A_109, %dma_start3A_110] : memref<32x256x2500xf32, #tpu.memory_space<any>> -> memref<1x256x2500xf32, #tpu.memory_space<any>>
    %dma_start3A_112 = tpu.memref_squeeze %dma_start3A_111 : memref<1x256x2500xf32, #tpu.memory_space<any>> -> memref<256x2500xf32, #tpu.memory_space<any>>
    tpu.enqueue_dma source(%arg2 : memref<256x2500xf32, #tpu.memory_space<vmem>>) target(%dma_start3A_112 : memref<256x2500xf32, #tpu.memory_space<any>>) target_semaphore(%arg4 : memref<!tpu.dma_semaphore, #tpu.memory_space<semaphore_mem>>) {priority = 1 : i32}
    %dma_start3A_113 = arith.constant 22 : i32
    %dma_start3A_114 = arith.constant 0 : i32
    %dma_start3A_115 = arith.constant 0 : i32
    %dma_start3A_116 = tpu.memref_slice %arg1[%dma_start3A_113, %dma_start3A_114, %dma_start3A_115] : memref<32x256x2500xf32, #tpu.memory_space<any>> -> memref<1x256x2500xf32, #tpu.memory_space<any>>
    %dma_start3A_117 = tpu.memref_squeeze %dma_start3A_116 : memref<1x256x2500xf32, #tpu.memory_space<any>> -> memref<256x2500xf32, #tpu.memory_space<any>>
    tpu.enqueue_dma source(%arg2 : memref<256x2500xf32, #tpu.memory_space<vmem>>) target(%dma_start3A_117 : memref<256x2500xf32, #tpu.memory_space<any>>) target_semaphore(%arg3 : memref<!tpu.dma_semaphore, #tpu.memory_space<semaphore_mem>>)
    %dma_start3A_118 = arith.constant 23 : i32
    %dma_start3A_119 = arith.constant 0 : i32
    %dma_start3A_120 = arith.constant 0 : i32
    %dma_start3A_121 = tpu.memref_slice %arg1[%dma_start3A_118, %dma_start3A_119, %dma_start3A_120] : memref<32x256x2500xf32, #tpu.memory_space<any>> -> memref<1x256x2500xf32, #tpu.memory_space<any>>
    %dma_start3A_122 = tpu.memref_squeeze %dma_start3A_121 : memref<1x256x2500xf32, #tpu.memory_space<any>> -> memref<256x2500xf32, #tpu.memory_space<any>>
    tpu.enqueue_dma source(%arg2 : memref<256x2500xf32, #tpu.memory_space<vmem>>) target(%dma_start3A_122 : memref<256x2500xf32, #tpu.memory_space<any>>) target_semaphore(%arg4 : memref<!tpu.dma_semaphore, #tpu.memory_space<semaphore_mem>>) {priority = 1 : i32}
    %dma_start3A_123 = arith.constant 24 : i32
    %dma_start3A_124 = arith.constant 0 : i32
    %dma_start3A_125 = arith.constant 0 : i32
    %dma_start3A_126 = tpu.memref_slice %arg1[%dma_start3A_123, %dma_start3A_124, %dma_start3A_125] : memref<32x256x2500xf32, #tpu.memory_space<any>> -> memref<1x256x2500xf32, #tpu.memory_space<any>>
    %dma_start3A_127 = tpu.memref_squeeze %dma_start3A_126 : memref<1x256x2500xf32, #tpu.memory_space<any>> -> memref<256x2500xf32, #tpu.memory_space<any>>
    tpu.enqueue_dma source(%arg2 : memref<256x2500xf32, #tpu.memory_space<vmem>>) target(%dma_start3A_127 : memref<256x2500xf32, #tpu.memory_space<any>>) target_semaphore(%arg3 : memref<!tpu.dma_semaphore, #tpu.memory_space<semaphore_mem>>)
    %dma_start3A_128 = arith.constant 25 : i32
    %dma_start3A_129 = arith.constant 0 : i32
    %dma_start3A_130 = arith.constant 0 : i32
    %dma_start3A_131 = tpu.memref_slice %arg1[%dma_start3A_128, %dma_start3A_129, %dma_start3A_130] : memref<32x256x2500xf32, #tpu.memory_space<any>> -> memref<1x256x2500xf32, #tpu.memory_space<any>>
    %dma_start3A_132 = tpu.memref_squeeze %dma_start3A_131 : memref<1x256x2500xf32, #tpu.memory_space<any>> -> memref<256x2500xf32, #tpu.memory_space<any>>
    tpu.enqueue_dma source(%arg2 : memref<256x2500xf32, #tpu.memory_space<vmem>>) target(%dma_start3A_132 : memref<256x2500xf32, #tpu.memory_space<any>>) target_semaphore(%arg4 : memref<!tpu.dma_semaphore, #tpu.memory_space<semaphore_mem>>) {priority = 1 : i32}
    %dma_start3A_133 = arith.constant 26 : i32
    %dma_start3A_134 = arith.constant 0 : i32
    %dma_start3A_135 = arith.constant 0 : i32
    %dma_start3A_136 = tpu.memref_slice %arg1[%dma_start3A_133, %dma_start3A_134, %dma_start3A_135] : memref<32x256x2500xf32, #tpu.memory_space<any>> -> memref<1x256x2500xf32, #tpu.memory_space<any>>
    %dma_start3A_137 = tpu.memref_squeeze %dma_start3A_136 : memref<1x256x2500xf32, #tpu.memory_space<any>> -> memref<256x2500xf32, #tpu.memory_space<any>>
    tpu.enqueue_dma source(%arg2 : memref<256x2500xf32, #tpu.memory_space<vmem>>) target(%dma_start3A_137 : memref<256x2500xf32, #tpu.memory_space<any>>) target_semaphore(%arg3 : memref<!tpu.dma_semaphore, #tpu.memory_space<semaphore_mem>>)
    %dma_start3A_138 = arith.constant 27 : i32
    %dma_start3A_139 = arith.constant 0 : i32
    %dma_start3A_140 = arith.constant 0 : i32
    %dma_start3A_141 = tpu.memref_slice %arg1[%dma_start3A_138, %dma_start3A_139, %dma_start3A_140] : memref<32x256x2500xf32, #tpu.memory_space<any>> -> memref<1x256x2500xf32, #tpu.memory_space<any>>
    %dma_start3A_142 = tpu.memref_squeeze %dma_start3A_141 : memref<1x256x2500xf32, #tpu.memory_space<any>> -> memref<256x2500xf32, #tpu.memory_space<any>>
    tpu.enqueue_dma source(%arg2 : memref<256x2500xf32, #tpu.memory_space<vmem>>) target(%dma_start3A_142 : memref<256x2500xf32, #tpu.memory_space<any>>) target_semaphore(%arg4 : memref<!tpu.dma_semaphore, #tpu.memory_space<semaphore_mem>>) {priority = 1 : i32}
    %dma_start3A_143 = arith.constant 28 : i32
    %dma_start3A_144 = arith.constant 0 : i32
    %dma_start3A_145 = arith.constant 0 : i32
    %dma_start3A_146 = tpu.memref_slice %arg1[%dma_start3A_143, %dma_start3A_144, %dma_start3A_145] : memref<32x256x2500xf32, #tpu.memory_space<any>> -> memref<1x256x2500xf32, #tpu.memory_space<any>>
    %dma_start3A_147 = tpu.memref_squeeze %dma_start3A_146 : memref<1x256x2500xf32, #tpu.memory_space<any>> -> memref<256x2500xf32, #tpu.memory_space<any>>
    tpu.enqueue_dma source(%arg2 : memref<256x2500xf32, #tpu.memory_space<vmem>>) target(%dma_start3A_147 : memref<256x2500xf32, #tpu.memory_space<any>>) target_semaphore(%arg3 : memref<!tpu.dma_semaphore, #tpu.memory_space<semaphore_mem>>)
    %dma_start3A_148 = arith.constant 29 : i32
    %dma_start3A_149 = arith.constant 0 : i32
    %dma_start3A_150 = arith.constant 0 : i32
    %dma_start3A_151 = tpu.memref_slice %arg1[%dma_start3A_148, %dma_start3A_149, %dma_start3A_150] : memref<32x256x2500xf32, #tpu.memory_space<any>> -> memref<1x256x2500xf32, #tpu.memory_space<any>>
    %dma_start3A_152 = tpu.memref_squeeze %dma_start3A_151 : memref<1x256x2500xf32, #tpu.memory_space<any>> -> memref<256x2500xf32, #tpu.memory_space<any>>
    tpu.enqueue_dma source(%arg2 : memref<256x2500xf32, #tpu.memory_space<vmem>>) target(%dma_start3A_152 : memref<256x2500xf32, #tpu.memory_space<any>>) target_semaphore(%arg4 : memref<!tpu.dma_semaphore, #tpu.memory_space<semaphore_mem>>) {priority = 1 : i32}
    %dma_start3A_153 = arith.constant 30 : i32
    %dma_start3A_154 = arith.constant 0 : i32
    %dma_start3A_155 = arith.constant 0 : i32
    %dma_start3A_156 = tpu.memref_slice %arg1[%dma_start3A_153, %dma_start3A_154, %dma_start3A_155] : memref<32x256x2500xf32, #tpu.memory_space<any>> -> memref<1x256x2500xf32, #tpu.memory_space<any>>
    %dma_start3A_157 = tpu.memref_squeeze %dma_start3A_156 : memref<1x256x2500xf32, #tpu.memory_space<any>> -> memref<256x2500xf32, #tpu.memory_space<any>>
    tpu.enqueue_dma source(%arg2 : memref<256x2500xf32, #tpu.memory_space<vmem>>) target(%dma_start3A_157 : memref<256x2500xf32, #tpu.memory_space<any>>) target_semaphore(%arg3 : memref<!tpu.dma_semaphore, #tpu.memory_space<semaphore_mem>>)
    %dma_start3A_158 = arith.constant 31 : i32
    %dma_start3A_159 = arith.constant 0 : i32
    %dma_start3A_160 = arith.constant 0 : i32
    %dma_start3A_161 = tpu.memref_slice %arg1[%dma_start3A_158, %dma_start3A_159, %dma_start3A_160] : memref<32x256x2500xf32, #tpu.memory_space<any>> -> memref<1x256x2500xf32, #tpu.memory_space<any>>
    %dma_start3A_162 = tpu.memref_squeeze %dma_start3A_161 : memref<1x256x2500xf32, #tpu.memory_space<any>> -> memref<256x2500xf32, #tpu.memory_space<any>>
    tpu.enqueue_dma source(%arg2 : memref<256x2500xf32, #tpu.memory_space<vmem>>) target(%dma_start3A_162 : memref<256x2500xf32, #tpu.memory_space<any>>) target_semaphore(%arg4 : memref<!tpu.dma_semaphore, #tpu.memory_space<semaphore_mem>>) {priority = 1 : i32}
    %dma_wait3A = arith.constant 0 : i32
    %dma_wait3A_163 = arith.constant 0 : i32
    %dma_wait3A_164 = arith.constant 0 : i32
    %dma_wait3A_165 = tpu.memref_slice %arg1[%dma_wait3A, %dma_wait3A_163, %dma_wait3A_164] : memref<32x256x2500xf32, #tpu.memory_space<any>> -> memref<1x256x2500xf32, #tpu.memory_space<any>>
    %dma_wait3A_166 = tpu.memref_squeeze %dma_wait3A_165 : memref<1x256x2500xf32, #tpu.memory_space<any>> -> memref<256x2500xf32, #tpu.memory_space<any>>
    tpu.wait_dma2 semaphore(%arg3 : memref<!tpu.dma_semaphore, #tpu.memory_space<semaphore_mem>>) src(%arg2 : memref<256x2500xf32, #tpu.memory_space<vmem>>) dst(%dma_wait3A_166 : memref<256x2500xf32, #tpu.memory_space<any>>)
    %dma_wait3A_167 = arith.constant 1 : i32
    %dma_wait3A_168 = arith.constant 0 : i32
    %dma_wait3A_169 = arith.constant 0 : i32
    %dma_wait3A_170 = tpu.memref_slice %arg1[%dma_wait3A_167, %dma_wait3A_168, %dma_wait3A_169] : memref<32x256x2500xf32, #tpu.memory_space<any>> -> memref<1x256x2500xf32, #tpu.memory_space<any>>
    %dma_wait3A_171 = tpu.memref_squeeze %dma_wait3A_170 : memref<1x256x2500xf32, #tpu.memory_space<any>> -> memref<256x2500xf32, #tpu.memory_space<any>>
    tpu.wait_dma2 semaphore(%arg4 : memref<!tpu.dma_semaphore, #tpu.memory_space<semaphore_mem>>) src(%arg2 : memref<256x2500xf32, #tpu.memory_space<vmem>>) dst(%dma_wait3A_171 : memref<256x2500xf32, #tpu.memory_space<any>>)
    %dma_wait3A_172 = arith.constant 2 : i32
    %dma_wait3A_173 = arith.constant 0 : i32
    %dma_wait3A_174 = arith.constant 0 : i32
    %dma_wait3A_175 = tpu.memref_slice %arg1[%dma_wait3A_172, %dma_wait3A_173, %dma_wait3A_174] : memref<32x256x2500xf32, #tpu.memory_space<any>> -> memref<1x256x2500xf32, #tpu.memory_space<any>>
    %dma_wait3A_176 = tpu.memref_squeeze %dma_wait3A_175 : memref<1x256x2500xf32, #tpu.memory_space<any>> -> memref<256x2500xf32, #tpu.memory_space<any>>
    tpu.wait_dma2 semaphore(%arg3 : memref<!tpu.dma_semaphore, #tpu.memory_space<semaphore_mem>>) src(%arg2 : memref<256x2500xf32, #tpu.memory_space<vmem>>) dst(%dma_wait3A_176 : memref<256x2500xf32, #tpu.memory_space<any>>)
    %dma_wait3A_177 = arith.constant 3 : i32
    %dma_wait3A_178 = arith.constant 0 : i32
    %dma_wait3A_179 = arith.constant 0 : i32
    %dma_wait3A_180 = tpu.memref_slice %arg1[%dma_wait3A_177, %dma_wait3A_178, %dma_wait3A_179] : memref<32x256x2500xf32, #tpu.memory_space<any>> -> memref<1x256x2500xf32, #tpu.memory_space<any>>
    %dma_wait3A_181 = tpu.memref_squeeze %dma_wait3A_180 : memref<1x256x2500xf32, #tpu.memory_space<any>> -> memref<256x2500xf32, #tpu.memory_space<any>>
    tpu.wait_dma2 semaphore(%arg4 : memref<!tpu.dma_semaphore, #tpu.memory_space<semaphore_mem>>) src(%arg2 : memref<256x2500xf32, #tpu.memory_space<vmem>>) dst(%dma_wait3A_181 : memref<256x2500xf32, #tpu.memory_space<any>>)
    %dma_wait3A_182 = arith.constant 4 : i32
    %dma_wait3A_183 = arith.constant 0 : i32
    %dma_wait3A_184 = arith.constant 0 : i32
    %dma_wait3A_185 = tpu.memref_slice %arg1[%dma_wait3A_182, %dma_wait3A_183, %dma_wait3A_184] : memref<32x256x2500xf32, #tpu.memory_space<any>> -> memref<1x256x2500xf32, #tpu.memory_space<any>>
    %dma_wait3A_186 = tpu.memref_squeeze %dma_wait3A_185 : memref<1x256x2500xf32, #tpu.memory_space<any>> -> memref<256x2500xf32, #tpu.memory_space<any>>
    tpu.wait_dma2 semaphore(%arg3 : memref<!tpu.dma_semaphore, #tpu.memory_space<semaphore_mem>>) src(%arg2 : memref<256x2500xf32, #tpu.memory_space<vmem>>) dst(%dma_wait3A_186 : memref<256x2500xf32, #tpu.memory_space<any>>)
    %dma_wait3A_187 = arith.constant 5 : i32
    %dma_wait3A_188 = arith.constant 0 : i32
    %dma_wait3A_189 = arith.constant 0 : i32
    %dma_wait3A_190 = tpu.memref_slice %arg1[%dma_wait3A_187, %dma_wait3A_188, %dma_wait3A_189] : memref<32x256x2500xf32, #tpu.memory_space<any>> -> memref<1x256x2500xf32, #tpu.memory_space<any>>
    %dma_wait3A_191 = tpu.memref_squeeze %dma_wait3A_190 : memref<1x256x2500xf32, #tpu.memory_space<any>> -> memref<256x2500xf32, #tpu.memory_space<any>>
    tpu.wait_dma2 semaphore(%arg4 : memref<!tpu.dma_semaphore, #tpu.memory_space<semaphore_mem>>) src(%arg2 : memref<256x2500xf32, #tpu.memory_space<vmem>>) dst(%dma_wait3A_191 : memref<256x2500xf32, #tpu.memory_space<any>>)
    %dma_wait3A_192 = arith.constant 6 : i32
    %dma_wait3A_193 = arith.constant 0 : i32
    %dma_wait3A_194 = arith.constant 0 : i32
    %dma_wait3A_195 = tpu.memref_slice %arg1[%dma_wait3A_192, %dma_wait3A_193, %dma_wait3A_194] : memref<32x256x2500xf32, #tpu.memory_space<any>> -> memref<1x256x2500xf32, #tpu.memory_space<any>>
    %dma_wait3A_196 = tpu.memref_squeeze %dma_wait3A_195 : memref<1x256x2500xf32, #tpu.memory_space<any>> -> memref<256x2500xf32, #tpu.memory_space<any>>
    tpu.wait_dma2 semaphore(%arg3 : memref<!tpu.dma_semaphore, #tpu.memory_space<semaphore_mem>>) src(%arg2 : memref<256x2500xf32, #tpu.memory_space<vmem>>) dst(%dma_wait3A_196 : memref<256x2500xf32, #tpu.memory_space<any>>)
    %dma_wait3A_197 = arith.constant 7 : i32
    %dma_wait3A_198 = arith.constant 0 : i32
    %dma_wait3A_199 = arith.constant 0 : i32
    %dma_wait3A_200 = tpu.memref_slice %arg1[%dma_wait3A_197, %dma_wait3A_198, %dma_wait3A_199] : memref<32x256x2500xf32, #tpu.memory_space<any>> -> memref<1x256x2500xf32, #tpu.memory_space<any>>
    %dma_wait3A_201 = tpu.memref_squeeze %dma_wait3A_200 : memref<1x256x2500xf32, #tpu.memory_space<any>> -> memref<256x2500xf32, #tpu.memory_space<any>>
    tpu.wait_dma2 semaphore(%arg4 : memref<!tpu.dma_semaphore, #tpu.memory_space<semaphore_mem>>) src(%arg2 : memref<256x2500xf32, #tpu.memory_space<vmem>>) dst(%dma_wait3A_201 : memref<256x2500xf32, #tpu.memory_space<any>>)
    %dma_wait3A_202 = arith.constant 8 : i32
    %dma_wait3A_203 = arith.constant 0 : i32
    %dma_wait3A_204 = arith.constant 0 : i32
    %dma_wait3A_205 = tpu.memref_slice %arg1[%dma_wait3A_202, %dma_wait3A_203, %dma_wait3A_204] : memref<32x256x2500xf32, #tpu.memory_space<any>> -> memref<1x256x2500xf32, #tpu.memory_space<any>>
    %dma_wait3A_206 = tpu.memref_squeeze %dma_wait3A_205 : memref<1x256x2500xf32, #tpu.memory_space<any>> -> memref<256x2500xf32, #tpu.memory_space<any>>
    tpu.wait_dma2 semaphore(%arg3 : memref<!tpu.dma_semaphore, #tpu.memory_space<semaphore_mem>>) src(%arg2 : memref<256x2500xf32, #tpu.memory_space<vmem>>) dst(%dma_wait3A_206 : memref<256x2500xf32, #tpu.memory_space<any>>)
    %dma_wait3A_207 = arith.constant 9 : i32
    %dma_wait3A_208 = arith.constant 0 : i32
    %dma_wait3A_209 = arith.constant 0 : i32
    %dma_wait3A_210 = tpu.memref_slice %arg1[%dma_wait3A_207, %dma_wait3A_208, %dma_wait3A_209] : memref<32x256x2500xf32, #tpu.memory_space<any>> -> memref<1x256x2500xf32, #tpu.memory_space<any>>
    %dma_wait3A_211 = tpu.memref_squeeze %dma_wait3A_210 : memref<1x256x2500xf32, #tpu.memory_space<any>> -> memref<256x2500xf32, #tpu.memory_space<any>>
    tpu.wait_dma2 semaphore(%arg4 : memref<!tpu.dma_semaphore, #tpu.memory_space<semaphore_mem>>) src(%arg2 : memref<256x2500xf32, #tpu.memory_space<vmem>>) dst(%dma_wait3A_211 : memref<256x2500xf32, #tpu.memory_space<any>>)
    %dma_wait3A_212 = arith.constant 10 : i32
    %dma_wait3A_213 = arith.constant 0 : i32
    %dma_wait3A_214 = arith.constant 0 : i32
    %dma_wait3A_215 = tpu.memref_slice %arg1[%dma_wait3A_212, %dma_wait3A_213, %dma_wait3A_214] : memref<32x256x2500xf32, #tpu.memory_space<any>> -> memref<1x256x2500xf32, #tpu.memory_space<any>>
    %dma_wait3A_216 = tpu.memref_squeeze %dma_wait3A_215 : memref<1x256x2500xf32, #tpu.memory_space<any>> -> memref<256x2500xf32, #tpu.memory_space<any>>
    tpu.wait_dma2 semaphore(%arg3 : memref<!tpu.dma_semaphore, #tpu.memory_space<semaphore_mem>>) src(%arg2 : memref<256x2500xf32, #tpu.memory_space<vmem>>) dst(%dma_wait3A_216 : memref<256x2500xf32, #tpu.memory_space<any>>)
    %dma_wait3A_217 = arith.constant 11 : i32
    %dma_wait3A_218 = arith.constant 0 : i32
    %dma_wait3A_219 = arith.constant 0 : i32
    %dma_wait3A_220 = tpu.memref_slice %arg1[%dma_wait3A_217, %dma_wait3A_218, %dma_wait3A_219] : memref<32x256x2500xf32, #tpu.memory_space<any>> -> memref<1x256x2500xf32, #tpu.memory_space<any>>
    %dma_wait3A_221 = tpu.memref_squeeze %dma_wait3A_220 : memref<1x256x2500xf32, #tpu.memory_space<any>> -> memref<256x2500xf32, #tpu.memory_space<any>>
    tpu.wait_dma2 semaphore(%arg4 : memref<!tpu.dma_semaphore, #tpu.memory_space<semaphore_mem>>) src(%arg2 : memref<256x2500xf32, #tpu.memory_space<vmem>>) dst(%dma_wait3A_221 : memref<256x2500xf32, #tpu.memory_space<any>>)
    %dma_wait3A_222 = arith.constant 12 : i32
    %dma_wait3A_223 = arith.constant 0 : i32
    %dma_wait3A_224 = arith.constant 0 : i32
    %dma_wait3A_225 = tpu.memref_slice %arg1[%dma_wait3A_222, %dma_wait3A_223, %dma_wait3A_224] : memref<32x256x2500xf32, #tpu.memory_space<any>> -> memref<1x256x2500xf32, #tpu.memory_space<any>>
    %dma_wait3A_226 = tpu.memref_squeeze %dma_wait3A_225 : memref<1x256x2500xf32, #tpu.memory_space<any>> -> memref<256x2500xf32, #tpu.memory_space<any>>
    tpu.wait_dma2 semaphore(%arg3 : memref<!tpu.dma_semaphore, #tpu.memory_space<semaphore_mem>>) src(%arg2 : memref<256x2500xf32, #tpu.memory_space<vmem>>) dst(%dma_wait3A_226 : memref<256x2500xf32, #tpu.memory_space<any>>)
    %dma_wait3A_227 = arith.constant 13 : i32
    %dma_wait3A_228 = arith.constant 0 : i32
    %dma_wait3A_229 = arith.constant 0 : i32
    %dma_wait3A_230 = tpu.memref_slice %arg1[%dma_wait3A_227, %dma_wait3A_228, %dma_wait3A_229] : memref<32x256x2500xf32, #tpu.memory_space<any>> -> memref<1x256x2500xf32, #tpu.memory_space<any>>
    %dma_wait3A_231 = tpu.memref_squeeze %dma_wait3A_230 : memref<1x256x2500xf32, #tpu.memory_space<any>> -> memref<256x2500xf32, #tpu.memory_space<any>>
    tpu.wait_dma2 semaphore(%arg4 : memref<!tpu.dma_semaphore, #tpu.memory_space<semaphore_mem>>) src(%arg2 : memref<256x2500xf32, #tpu.memory_space<vmem>>) dst(%dma_wait3A_231 : memref<256x2500xf32, #tpu.memory_space<any>>)
    %dma_wait3A_232 = arith.constant 14 : i32
    %dma_wait3A_233 = arith.constant 0 : i32
    %dma_wait3A_234 = arith.constant 0 : i32
    %dma_wait3A_235 = tpu.memref_slice %arg1[%dma_wait3A_232, %dma_wait3A_233, %dma_wait3A_234] : memref<32x256x2500xf32, #tpu.memory_space<any>> -> memref<1x256x2500xf32, #tpu.memory_space<any>>
    %dma_wait3A_236 = tpu.memref_squeeze %dma_wait3A_235 : memref<1x256x2500xf32, #tpu.memory_space<any>> -> memref<256x2500xf32, #tpu.memory_space<any>>
    tpu.wait_dma2 semaphore(%arg3 : memref<!tpu.dma_semaphore, #tpu.memory_space<semaphore_mem>>) src(%arg2 : memref<256x2500xf32, #tpu.memory_space<vmem>>) dst(%dma_wait3A_236 : memref<256x2500xf32, #tpu.memory_space<any>>)
    %dma_wait3A_237 = arith.constant 15 : i32
    %dma_wait3A_238 = arith.constant 0 : i32
    %dma_wait3A_239 = arith.constant 0 : i32
    %dma_wait3A_240 = tpu.memref_slice %arg1[%dma_wait3A_237, %dma_wait3A_238, %dma_wait3A_239] : memref<32x256x2500xf32, #tpu.memory_space<any>> -> memref<1x256x2500xf32, #tpu.memory_space<any>>
    %dma_wait3A_241 = tpu.memref_squeeze %dma_wait3A_240 : memref<1x256x2500xf32, #tpu.memory_space<any>> -> memref<256x2500xf32, #tpu.memory_space<any>>
    tpu.wait_dma2 semaphore(%arg4 : memref<!tpu.dma_semaphore, #tpu.memory_space<semaphore_mem>>) src(%arg2 : memref<256x2500xf32, #tpu.memory_space<vmem>>) dst(%dma_wait3A_241 : memref<256x2500xf32, #tpu.memory_space<any>>)
    %dma_wait3A_242 = arith.constant 16 : i32
    %dma_wait3A_243 = arith.constant 0 : i32
    %dma_wait3A_244 = arith.constant 0 : i32
    %dma_wait3A_245 = tpu.memref_slice %arg1[%dma_wait3A_242, %dma_wait3A_243, %dma_wait3A_244] : memref<32x256x2500xf32, #tpu.memory_space<any>> -> memref<1x256x2500xf32, #tpu.memory_space<any>>
    %dma_wait3A_246 = tpu.memref_squeeze %dma_wait3A_245 : memref<1x256x2500xf32, #tpu.memory_space<any>> -> memref<256x2500xf32, #tpu.memory_space<any>>
    tpu.wait_dma2 semaphore(%arg3 : memref<!tpu.dma_semaphore, #tpu.memory_space<semaphore_mem>>) src(%arg2 : memref<256x2500xf32, #tpu.memory_space<vmem>>) dst(%dma_wait3A_246 : memref<256x2500xf32, #tpu.memory_space<any>>)
    %dma_wait3A_247 = arith.constant 17 : i32
    %dma_wait3A_248 = arith.constant 0 : i32
    %dma_wait3A_249 = arith.constant 0 : i32
    %dma_wait3A_250 = tpu.memref_slice %arg1[%dma_wait3A_247, %dma_wait3A_248, %dma_wait3A_249] : memref<32x256x2500xf32, #tpu.memory_space<any>> -> memref<1x256x2500xf32, #tpu.memory_space<any>>
    %dma_wait3A_251 = tpu.memref_squeeze %dma_wait3A_250 : memref<1x256x2500xf32, #tpu.memory_space<any>> -> memref<256x2500xf32, #tpu.memory_space<any>>
    tpu.wait_dma2 semaphore(%arg4 : memref<!tpu.dma_semaphore, #tpu.memory_space<semaphore_mem>>) src(%arg2 : memref<256x2500xf32, #tpu.memory_space<vmem>>) dst(%dma_wait3A_251 : memref<256x2500xf32, #tpu.memory_space<any>>)
    %dma_wait3A_252 = arith.constant 18 : i32
    %dma_wait3A_253 = arith.constant 0 : i32
    %dma_wait3A_254 = arith.constant 0 : i32
    %dma_wait3A_255 = tpu.memref_slice %arg1[%dma_wait3A_252, %dma_wait3A_253, %dma_wait3A_254] : memref<32x256x2500xf32, #tpu.memory_space<any>> -> memref<1x256x2500xf32, #tpu.memory_space<any>>
    %dma_wait3A_256 = tpu.memref_squeeze %dma_wait3A_255 : memref<1x256x2500xf32, #tpu.memory_space<any>> -> memref<256x2500xf32, #tpu.memory_space<any>>
    tpu.wait_dma2 semaphore(%arg3 : memref<!tpu.dma_semaphore, #tpu.memory_space<semaphore_mem>>) src(%arg2 : memref<256x2500xf32, #tpu.memory_space<vmem>>) dst(%dma_wait3A_256 : memref<256x2500xf32, #tpu.memory_space<any>>)
    %dma_wait3A_257 = arith.constant 19 : i32
    %dma_wait3A_258 = arith.constant 0 : i32
    %dma_wait3A_259 = arith.constant 0 : i32
    %dma_wait3A_260 = tpu.memref_slice %arg1[%dma_wait3A_257, %dma_wait3A_258, %dma_wait3A_259] : memref<32x256x2500xf32, #tpu.memory_space<any>> -> memref<1x256x2500xf32, #tpu.memory_space<any>>
    %dma_wait3A_261 = tpu.memref_squeeze %dma_wait3A_260 : memref<1x256x2500xf32, #tpu.memory_space<any>> -> memref<256x2500xf32, #tpu.memory_space<any>>
    tpu.wait_dma2 semaphore(%arg4 : memref<!tpu.dma_semaphore, #tpu.memory_space<semaphore_mem>>) src(%arg2 : memref<256x2500xf32, #tpu.memory_space<vmem>>) dst(%dma_wait3A_261 : memref<256x2500xf32, #tpu.memory_space<any>>)
    %dma_wait3A_262 = arith.constant 20 : i32
    %dma_wait3A_263 = arith.constant 0 : i32
    %dma_wait3A_264 = arith.constant 0 : i32
    %dma_wait3A_265 = tpu.memref_slice %arg1[%dma_wait3A_262, %dma_wait3A_263, %dma_wait3A_264] : memref<32x256x2500xf32, #tpu.memory_space<any>> -> memref<1x256x2500xf32, #tpu.memory_space<any>>
    %dma_wait3A_266 = tpu.memref_squeeze %dma_wait3A_265 : memref<1x256x2500xf32, #tpu.memory_space<any>> -> memref<256x2500xf32, #tpu.memory_space<any>>
    tpu.wait_dma2 semaphore(%arg3 : memref<!tpu.dma_semaphore, #tpu.memory_space<semaphore_mem>>) src(%arg2 : memref<256x2500xf32, #tpu.memory_space<vmem>>) dst(%dma_wait3A_266 : memref<256x2500xf32, #tpu.memory_space<any>>)
    %dma_wait3A_267 = arith.constant 21 : i32
    %dma_wait3A_268 = arith.constant 0 : i32
    %dma_wait3A_269 = arith.constant 0 : i32
    %dma_wait3A_270 = tpu.memref_slice %arg1[%dma_wait3A_267, %dma_wait3A_268, %dma_wait3A_269] : memref<32x256x2500xf32, #tpu.memory_space<any>> -> memref<1x256x2500xf32, #tpu.memory_space<any>>
    %dma_wait3A_271 = tpu.memref_squeeze %dma_wait3A_270 : memref<1x256x2500xf32, #tpu.memory_space<any>> -> memref<256x2500xf32, #tpu.memory_space<any>>
    tpu.wait_dma2 semaphore(%arg4 : memref<!tpu.dma_semaphore, #tpu.memory_space<semaphore_mem>>) src(%arg2 : memref<256x2500xf32, #tpu.memory_space<vmem>>) dst(%dma_wait3A_271 : memref<256x2500xf32, #tpu.memory_space<any>>)
    %dma_wait3A_272 = arith.constant 22 : i32
    %dma_wait3A_273 = arith.constant 0 : i32
    %dma_wait3A_274 = arith.constant 0 : i32
    %dma_wait3A_275 = tpu.memref_slice %arg1[%dma_wait3A_272, %dma_wait3A_273, %dma_wait3A_274] : memref<32x256x2500xf32, #tpu.memory_space<any>> -> memref<1x256x2500xf32, #tpu.memory_space<any>>
    %dma_wait3A_276 = tpu.memref_squeeze %dma_wait3A_275 : memref<1x256x2500xf32, #tpu.memory_space<any>> -> memref<256x2500xf32, #tpu.memory_space<any>>
    tpu.wait_dma2 semaphore(%arg3 : memref<!tpu.dma_semaphore, #tpu.memory_space<semaphore_mem>>) src(%arg2 : memref<256x2500xf32, #tpu.memory_space<vmem>>) dst(%dma_wait3A_276 : memref<256x2500xf32, #tpu.memory_space<any>>)
    %dma_wait3A_277 = arith.constant 23 : i32
    %dma_wait3A_278 = arith.constant 0 : i32
    %dma_wait3A_279 = arith.constant 0 : i32
    %dma_wait3A_280 = tpu.memref_slice %arg1[%dma_wait3A_277, %dma_wait3A_278, %dma_wait3A_279] : memref<32x256x2500xf32, #tpu.memory_space<any>> -> memref<1x256x2500xf32, #tpu.memory_space<any>>
    %dma_wait3A_281 = tpu.memref_squeeze %dma_wait3A_280 : memref<1x256x2500xf32, #tpu.memory_space<any>> -> memref<256x2500xf32, #tpu.memory_space<any>>
    tpu.wait_dma2 semaphore(%arg4 : memref<!tpu.dma_semaphore, #tpu.memory_space<semaphore_mem>>) src(%arg2 : memref<256x2500xf32, #tpu.memory_space<vmem>>) dst(%dma_wait3A_281 : memref<256x2500xf32, #tpu.memory_space<any>>)
    %dma_wait3A_282 = arith.constant 24 : i32
    %dma_wait3A_283 = arith.constant 0 : i32
    %dma_wait3A_284 = arith.constant 0 : i32
    %dma_wait3A_285 = tpu.memref_slice %arg1[%dma_wait3A_282, %dma_wait3A_283, %dma_wait3A_284] : memref<32x256x2500xf32, #tpu.memory_space<any>> -> memref<1x256x2500xf32, #tpu.memory_space<any>>
    %dma_wait3A_286 = tpu.memref_squeeze %dma_wait3A_285 : memref<1x256x2500xf32, #tpu.memory_space<any>> -> memref<256x2500xf32, #tpu.memory_space<any>>
    tpu.wait_dma2 semaphore(%arg3 : memref<!tpu.dma_semaphore, #tpu.memory_space<semaphore_mem>>) src(%arg2 : memref<256x2500xf32, #tpu.memory_space<vmem>>) dst(%dma_wait3A_286 : memref<256x2500xf32, #tpu.memory_space<any>>)
    %dma_wait3A_287 = arith.constant 25 : i32
    %dma_wait3A_288 = arith.constant 0 : i32
    %dma_wait3A_289 = arith.constant 0 : i32
    %dma_wait3A_290 = tpu.memref_slice %arg1[%dma_wait3A_287, %dma_wait3A_288, %dma_wait3A_289] : memref<32x256x2500xf32, #tpu.memory_space<any>> -> memref<1x256x2500xf32, #tpu.memory_space<any>>
    %dma_wait3A_291 = tpu.memref_squeeze %dma_wait3A_290 : memref<1x256x2500xf32, #tpu.memory_space<any>> -> memref<256x2500xf32, #tpu.memory_space<any>>
    tpu.wait_dma2 semaphore(%arg4 : memref<!tpu.dma_semaphore, #tpu.memory_space<semaphore_mem>>) src(%arg2 : memref<256x2500xf32, #tpu.memory_space<vmem>>) dst(%dma_wait3A_291 : memref<256x2500xf32, #tpu.memory_space<any>>)
    %dma_wait3A_292 = arith.constant 26 : i32
    %dma_wait3A_293 = arith.constant 0 : i32
    %dma_wait3A_294 = arith.constant 0 : i32
    %dma_wait3A_295 = tpu.memref_slice %arg1[%dma_wait3A_292, %dma_wait3A_293, %dma_wait3A_294] : memref<32x256x2500xf32, #tpu.memory_space<any>> -> memref<1x256x2500xf32, #tpu.memory_space<any>>
    %dma_wait3A_296 = tpu.memref_squeeze %dma_wait3A_295 : memref<1x256x2500xf32, #tpu.memory_space<any>> -> memref<256x2500xf32, #tpu.memory_space<any>>
    tpu.wait_dma2 semaphore(%arg3 : memref<!tpu.dma_semaphore, #tpu.memory_space<semaphore_mem>>) src(%arg2 : memref<256x2500xf32, #tpu.memory_space<vmem>>) dst(%dma_wait3A_296 : memref<256x2500xf32, #tpu.memory_space<any>>)
    %dma_wait3A_297 = arith.constant 27 : i32
    %dma_wait3A_298 = arith.constant 0 : i32
    %dma_wait3A_299 = arith.constant 0 : i32
    %dma_wait3A_300 = tpu.memref_slice %arg1[%dma_wait3A_297, %dma_wait3A_298, %dma_wait3A_299] : memref<32x256x2500xf32, #tpu.memory_space<any>> -> memref<1x256x2500xf32, #tpu.memory_space<any>>
    %dma_wait3A_301 = tpu.memref_squeeze %dma_wait3A_300 : memref<1x256x2500xf32, #tpu.memory_space<any>> -> memref<256x2500xf32, #tpu.memory_space<any>>
    tpu.wait_dma2 semaphore(%arg4 : memref<!tpu.dma_semaphore, #tpu.memory_space<semaphore_mem>>) src(%arg2 : memref<256x2500xf32, #tpu.memory_space<vmem>>) dst(%dma_wait3A_301 : memref<256x2500xf32, #tpu.memory_space<any>>)
    %dma_wait3A_302 = arith.constant 28 : i32
    %dma_wait3A_303 = arith.constant 0 : i32
    %dma_wait3A_304 = arith.constant 0 : i32
    %dma_wait3A_305 = tpu.memref_slice %arg1[%dma_wait3A_302, %dma_wait3A_303, %dma_wait3A_304] : memref<32x256x2500xf32, #tpu.memory_space<any>> -> memref<1x256x2500xf32, #tpu.memory_space<any>>
    %dma_wait3A_306 = tpu.memref_squeeze %dma_wait3A_305 : memref<1x256x2500xf32, #tpu.memory_space<any>> -> memref<256x2500xf32, #tpu.memory_space<any>>
    tpu.wait_dma2 semaphore(%arg3 : memref<!tpu.dma_semaphore, #tpu.memory_space<semaphore_mem>>) src(%arg2 : memref<256x2500xf32, #tpu.memory_space<vmem>>) dst(%dma_wait3A_306 : memref<256x2500xf32, #tpu.memory_space<any>>)
    %dma_wait3A_307 = arith.constant 29 : i32
    %dma_wait3A_308 = arith.constant 0 : i32
    %dma_wait3A_309 = arith.constant 0 : i32
    %dma_wait3A_310 = tpu.memref_slice %arg1[%dma_wait3A_307, %dma_wait3A_308, %dma_wait3A_309] : memref<32x256x2500xf32, #tpu.memory_space<any>> -> memref<1x256x2500xf32, #tpu.memory_space<any>>
    %dma_wait3A_311 = tpu.memref_squeeze %dma_wait3A_310 : memref<1x256x2500xf32, #tpu.memory_space<any>> -> memref<256x2500xf32, #tpu.memory_space<any>>
    tpu.wait_dma2 semaphore(%arg4 : memref<!tpu.dma_semaphore, #tpu.memory_space<semaphore_mem>>) src(%arg2 : memref<256x2500xf32, #tpu.memory_space<vmem>>) dst(%dma_wait3A_311 : memref<256x2500xf32, #tpu.memory_space<any>>)
    %dma_wait3A_312 = arith.constant 30 : i32
    %dma_wait3A_313 = arith.constant 0 : i32
    %dma_wait3A_314 = arith.constant 0 : i32
    %dma_wait3A_315 = tpu.memref_slice %arg1[%dma_wait3A_312, %dma_wait3A_313, %dma_wait3A_314] : memref<32x256x2500xf32, #tpu.memory_space<any>> -> memref<1x256x2500xf32, #tpu.memory_space<any>>
    %dma_wait3A_316 = tpu.memref_squeeze %dma_wait3A_315 : memref<1x256x2500xf32, #tpu.memory_space<any>> -> memref<256x2500xf32, #tpu.memory_space<any>>
    tpu.wait_dma2 semaphore(%arg3 : memref<!tpu.dma_semaphore, #tpu.memory_space<semaphore_mem>>) src(%arg2 : memref<256x2500xf32, #tpu.memory_space<vmem>>) dst(%dma_wait3A_316 : memref<256x2500xf32, #tpu.memory_space<any>>)
    %dma_wait3A_317 = arith.constant 31 : i32
    %dma_wait3A_318 = arith.constant 0 : i32
    %dma_wait3A_319 = arith.constant 0 : i32
    %dma_wait3A_320 = tpu.memref_slice %arg1[%dma_wait3A_317, %dma_wait3A_318, %dma_wait3A_319] : memref<32x256x2500xf32, #tpu.memory_space<any>> -> memref<1x256x2500xf32, #tpu.memory_space<any>>
    %dma_wait3A_321 = tpu.memref_squeeze %dma_wait3A_320 : memref<1x256x2500xf32, #tpu.memory_space<any>> -> memref<256x2500xf32, #tpu.memory_space<any>>
    tpu.wait_dma2 semaphore(%arg4 : memref<!tpu.dma_semaphore, #tpu.memory_space<semaphore_mem>>) src(%arg2 : memref<256x2500xf32, #tpu.memory_space<vmem>>) dst(%dma_wait3A_321 : memref<256x2500xf32, #tpu.memory_space<any>>)
    return
  }
}

</mosaic_0001>

<sc_bundles>
// kernel: kernel.4.cloned.1.call-start
scs
__scs_entry_jumppad:
0x0: {  	(pc) =	sbr.rel $0x88, $3  }
0x1: {  	(tag) =	ssettag $0x0;
	lr =	simm.s32 $0x1  }
0x2: {  	[smem:$0x3F9F] =	sst lr;
	_ =	strace $0xD0000000  }
0x3: {  	_ = 	snop  }
0x4: {  	_ = 	snop  }
0x5: {  	_ = 	snop  }
0x6: {  	_ = 	snop  }
0x7: {  	_ = 	snop  }
__scs_overlays_trampoline_lowered:
0x8: {  	[smem:$0x3FAE] =	sst s0  }
0x9: {  	[smem:$0x3FAF] =	sst s1  }
0xa: {  	[smem:$0x3FB0] =	sst s2  }
0xb: {  	[smem:$0x3FB1] =	sst s3  }
0xc: {  	[smem:$0x3FB2] =	sst s4  }
0xd: {  	[smem:$0x3FB3] =	sst s5  }
0xe: {  	[smem:$0x3FB4] =	sst s6  }
0xf: {  	[smem:$0x3FB5] =	sst s7  }
0x10: {  	[smem:$0x3FB6] =	sst s8  }
0x11: {  	[smem:$0x3FB7] =	sst s9;
	s0 =	simm.s32 @!p0 $0x0  }
0x12: {  	s1 =	sld [smem:$0x3F9D];
	s0 =	simm.s32 @p0 $0x1  }
0x13: {  	[smem:$0x3FB8] =	sst s0;
	s0 =	simm.s32 @!p1 $0x0  }
0x14: {  	s2 =	sld [smem:$0x3F9C];
	s0 =	simm.s32 @p1 $0x1  }
0x15: {  	[smem:$0x3FB9] =	sst s0;
	s0 =	simm.s32 @!p2 $0x0  }
0x16: {  	s3 =	sld [smem:$0x3FDB];
	s0 =	simm.s32 @p2 $0x1  }
0x17: {  	s4 =	simm.s32 $0x1BF5;
	[smem:$0x3FBB] =	sst s0  }
0x18: {  	s0 =	sld [smem:$0x3F9E];
	_ =	swait.ge [sflag:s4], $0x0  }
0x19: {  	s7 =	sld [smem:$0x3F9F]  }
0x1a: {  	s8 =	sadd.s32 $0xFFFFE003, lr  }
0x1b: {  	s9 =	sadd.s32 $0xFFFFFEF7, lr;
	s5 =	simm.s32 $0xFFFFFFFF;
	p2 =	slt.u32 s8, $0xFFFFF086  }
0x1c: {  	p1 =	slt.u32 s9, $0xF7A;
	s5 =	simm.s32 @!p2 $0x0  }
0x1d: {  	s5 =	simm.s32 @p1 $0x1;
	p0 =	seq.s32 s7, s2  }
0x1e: {  	s7 =	smul.u32 @!p0 $0xF7A, s2;
	p2 =	seq.s32 @!p0 s5, $0x0  }
0x1f: {  	s9 =	smul.u32 $0xF7A, s1;
	s8 =	simm.s32 @!p0 $0x1BF5;
	p2 =	por !p2, p0  }
0x20: {  	[sflag:s8] =	ssyncset.s32 @!p0 $0xFFFFF086;
	s6 =	sadd.s32 @!p0 s3, s7;
	s7 =	simm.s32 @!p0 $0x108  }
0x21: {  	s3 =	sadd.s32 s3, s9;
	s6 =	sadd.s32 @!p0 $0x88, s6;
	s7 =	simm.s32 @p2 $0x1082  }
0x22: {  	[simem:s7], [sflag:s8] =	dma.local @!p0 [hbm:s6], $0xF7A  }
0x23: {  	s9 =	sor.u32 $0xD0000000, s2;
	s6 =	simm.s32 $0x108;
	_ =	swait.ge @!p0 [sflag:s8], $0x0  }
0x24: {  	s3 =	sadd.s32 $0x88, s3;
	s6 =	simm.s32 @!p1 $0x1082;
	[sflag:s4] =	ssyncset.s32 $0xFFFFF086  }
0x25: {  	[simem:s6], [sflag:s4] =	dma.local [hbm:s3], $0xF7A  }
0x26: {  	[smem:$0x3F9F] =	sst s1;
	(tag) =	ssettag s2;
	_ =	strace s9  }
0x27: {  	s1 =	sld [smem:$0x3FAF]  }
0x28: {  	s2 =	sld [smem:$0x3FB0]  }
0x29: {  	s4 =	sld [smem:$0x3FB2]  }
0x2a: {  	p0 =	seq.s32 s5, $0x0;
	s5 =	sld [smem:$0x3FB3]  }
0x2b: {  	s6 =	sld [smem:$0x3FB4]  }
0x2c: {  	s7 =	sld [smem:$0x3FB5]  }
0x2d: {  	s3 =	simm.s32 $0x108;
	s8 =	sld [smem:$0x3FB6]  }
0x2e: {  	s3 =	simm.s32 @!p0 $0x1082;
	s9 =	sld [smem:$0x3FB7]  }
0x2f: {  	lr =	sadd.s32 s0, s3;
	s0 =	sld [smem:$0x3FAE]  }
0x30: {  	s3 =	sld [smem:$0x3FB1]  }
0x31: {  	[smem:$0x3FBA] =	sst s10  }
0x32: {  	s10 =	sld [smem:$0x3FB8];
	_ =	sdelay $0x3  }
0x33: {  	p0 =	seq.s32 s10, $0x1;
	s10 =	sld [smem:$0x3FBA];
	_ =	sdelay $0x3  }
0x34: {  	[smem:$0x3FBA] =	sst s10  }
0x35: {  	s10 =	sld [smem:$0x3FB9];
	_ =	sdelay $0x3  }
0x36: {  	p1 =	seq.s32 s10, $0x1;
	s10 =	sld [smem:$0x3FBA];
	_ =	sdelay $0x3  }
0x37: {  	[smem:$0x3FBA] =	sst s10  }
0x38: {  	s10 =	sld [smem:$0x3FBB]  }
0x39: {  	_ = 	snop;
	(pc) =	sbr.ind lr, $3  }
0x3a: {  	_ = 	snop  }
0x3b: {  	_ = 	snop  }
0x3c: {  	p2 =	seq.s32 s10, $0x1;
	s10 =	sld [smem:$0x3FBA]  }
0x3d: {  	_ =	shalt  }
0x3e: {  	_ =	shalt  }
0x3f: {  	_ =	shalt  }
0x40: {  	_ =	shalt  }
0x41: {  	_ =	shalt  }
0x42: {  	_ =	shalt  }
0x43: {  	_ =	shalt  }
0x44: {  	_ =	shalt  }
0x45: {  	_ =	shalt  }
0x46: {  	_ =	shalt  }
0x47: {  	_ =	shalt  }
0x48: {  	_ =	shalt  }
0x49: {  	_ =	shalt  }
0x4a: {  	_ =	shalt  }
0x4b: {  	_ =	shalt  }
0x4c: {  	_ =	shalt  }
0x4d: {  	_ =	shalt  }
0x4e: {  	_ =	shalt  }
0x4f: {  	_ =	shalt  }
0x50: {  	_ =	shalt  }
0x51: {  	_ =	shalt  }
0x52: {  	_ =	shalt  }
0x53: {  	_ =	shalt  }
0x54: {  	_ =	shalt  }
0x55: {  	_ =	shalt  }
0x56: {  	_ =	shalt  }
0x57: {  	_ =	shalt  }
0x58: {  	_ =	shalt  }
0x59: {  	_ =	shalt  }
0x5a: {  	_ =	shalt  }
0x5b: {  	_ =	shalt  }
0x5c: {  	_ =	shalt  }
0x5d: {  	_ =	shalt  }
0x5e: {  	_ =	shalt  }
0x5f: {  	_ =	shalt  }
0x60: {  	_ =	shalt  }
0x61: {  	_ =	shalt  }
0x62: {  	_ =	shalt  }
0x63: {  	_ =	shalt  }
0x64: {  	_ =	shalt  }
0x65: {  	_ =	shalt  }
0x66: {  	_ =	shalt  }
0x67: {  	_ =	shalt  }
0x68: {  	_ =	shalt  }
0x69: {  	_ =	shalt  }
0x6a: {  	_ =	shalt  }
0x6b: {  	_ =	shalt  }
0x6c: {  	_ =	shalt  }
0x6d: {  	_ =	shalt  }
0x6e: {  	_ =	shalt  }
0x6f: {  	_ =	shalt  }
0x70: {  	_ =	shalt  }
0x71: {  	_ =	shalt  }
0x72: {  	_ =	shalt  }
0x73: {  	_ =	shalt  }
0x74: {  	_ =	shalt  }
0x75: {  	_ =	shalt  }
0x76: {  	_ =	shalt  }
0x77: {  	_ =	shalt  }
0x78: {  	_ =	shalt  }
0x79: {  	_ =	shalt  }
0x7a: {  	_ =	shalt  }
0x7b: {  	_ =	shalt  }
0x7c: {  	_ =	shalt  }
0x7d: {  	_ =	shalt  }
0x7e: {  	_ =	shalt  }
0x7f: {  	_ =	shalt  }
0x80: {  	_ =	shalt  }
0x81: {  	_ =	shalt  }
0x82: {  	_ =	shalt  }
0x83: {  	_ =	shalt  }
0x84: {  	_ =	shalt  }
0x85: {  	_ =	shalt  }
0x86: {  	_ =	shalt  }
0x87: {  	_ =	shalt  }
.Lfunc_end0:
.L_simem_size_0:
called_computation_lowered:
.L_overlay_start_0:
0x88: {  	s2 =	sld [smem:$0x3FD9]  }
0x89: {  	s3 =	sld [smem:$0x3FFE];
	_ =	sdelay $0x1  }
0x8a: {  	s1 =	srdreg.scid  }
0x8b: {  	s0 =	sand.u32 $0x1, s1  }
0x8c: {  	s18 =	sshll.u32 s0, $0xA;
	s2 =	sadd.s32 s3, s2  }
0x8d: {  	s2 =	sadd.s32 s2, s18  }
0x8e: {  	[smem:$0x3FC6] =	sst s2  }
0x8f: {  	_ = 	snop  }
0x90: {  	s2 =	sld [smem:$0x3FC9]  }
0x91: {  	s19 =	sld [smem:$0x3FC8]  }
0x92: {  	s4 =	sld [smem:$0x3FD0];
	(tm) =	ssettm $0x1  }
0x93: {  	s5 =	sld [smem:$0x3FFB];
	_ =	sdelay $0x3  }
0x94: {  	_ =	strace s5  }
0x95: {  	s5 =	sld [smem:$0x3FFC];
	_ =	sdelay $0x3  }
0x96: {  	_ =	strace s5  }
0x97: {  	s5 =	sld [smem:$0x3FFD];
	_ =	sdelay $0x3  }
0x98: {  	_ =	strace s5  }
0x99: {  	_ =	strace $0x8FFFFFFF  }
0x9a: {  	s20 =	sld [smem:$0x3FDB];
	_ =	sdelay $0x1  }
0x9b: {  	s6 =	simm.s32 $_scs_section_size  }
0x9c: {  	s7 =	simm.s32 $_size__tile_overlayer_lowered;
	s8 =	simm.s32 $_tile_overlayer_lowered  }
0x9d: {  	s23 =	simm.s32 $0x1BFF;
	s22 =	sshll.u32 s8, $0x1;
	s5 =	sadd.s32 s6, s20  }
0x9e: {  	s9 =	simm.s32 $0x0;
	s21 =	sshll.u32 s7, $0x1;
	s7 =	sadd.s32 s22, s5  }
0x9f: {  	[timem:s9], [sflag:s23] =	dma.local [hbm:s7], s21  }
0xa0: {  	_ =	swait.ge [sflag:s23], s21  }
0xa1: {  	s6 =	ssub.s32 $0x0, s21;
	[sflag:s23] =	ssyncset.done $0x0  }
0xa2: {  	[sflag:s23] =	ssyncadd.s32 s6;
	_ =	sdelay $0x1  }
0xa3: {  	s24 =	simm.s32 $0x1B8B  }
0xa4: {  	_ =	swait.ge [sflag:s24], $0x1  }
0xa5: {  	[sflag:s24] =	ssyncset.done $0x0  }
0xa6: {  	s25 =	simm.s32 $0x1B8E;
	[sflag:s24] =	ssyncadd.s32 $0xFFFFFFFF  }
0xa7: {  	s26 =	simm.s32 $execute0_lowered;
	[smem:$0x3FD2] =	sst s25  }
0xa8: {  	s6 =	sshll.u32 s26, $0x1;
	_ =	strace $0x80000046;
	[dreg:$0x1] =	wrdreg $0xFFFFFFFF  }
0xa9: {  	s28 =	simm.s32 $_size_execute0_lowered;
	s5 =	sadd.s32 s5, s6;
	[dreg:$0x0] =	wrdreg $0x0  }
0xaa: {  	s6 =	sshll.u32 s28, $0x1;
	[dreg:$0x2] =	wrdreg s5  }
0xab: {  	[dreg:$0x3] =	wrdreg s6  }
0xac: {  	[dreg:$0x4] =	wrdreg $0xC0  }
0xad: {  	_ =	task [dreg:s9], $0x5FFFF  }
0xae: {  	[dreg:$0x1] =	wrdreg $0xFFFFFFFF  }
0xaf: {  	[dreg:$0x0] =	wrdreg $0x60  }
0xb0: {  	[dreg:$0x2] =	wrdreg s2  }
0xb1: {  	[dreg:$0x3] =	wrdreg s19  }
0xb2: {  	[dreg:$0x4] =	wrdreg s4  }
0xb3: {  	[dreg:$0x5] =	wrdreg $0x9  }
0xb4: {  	_ =	task.clear_ibuf [dreg:s9], $0x6FFFF;
	_ =	strace $0x90000046  }
0xb5: {  	s29 =	simm.s32 $0x9;
	_ =	strace $0x80000048  }
0xb6: {  	_ =	swait.ge [sflag:s29], $0x1  }
0xb7: {  	[sflag:s29] =	ssyncadd.s32 $0xFFFFFFFF  }
0xb8: {  	_ =	strace $0x90000048  }
0xb9: {  	_ =	sfence  }
0xba: {  	s30 =	sld [smem:$0x0];
	_ =	sdelay $0x2  }
0xbb: {  	s31 =	sshll.u32 s1, $0xD;
	s1 =	sshrl.u32 s1, $0x2  }
0xbc: {  	s3 =	sand.u32 $0x4000, s31;
	s1 =	sadd.s32 s1, s30  }
0xbd: {  	s0 =	sor.u32 s3, s0;
	s1 =	sshll.u32 s1, $0x11  }
0xbe: {  	s0 =	sor.u32 s1, s0  }
0xbf: {  	s0 =	sadd.s32 $0x8F2B, s0  }
0xc0: {  	[sflag:s0] =	ssyncadd.remote.s32 $0x1  }
0xc1: {  	_ =	sfence.sel $0xFFFF  }
0xc2: {  	[dreg:$0x0] =	wrdreg $0xFFFFFFFF;
	(pc) =	sbr.abs _section_cstart, $3  }
0xc3: {  	[dreg:$0x1] =	wrdreg $0xFFFFFFFF  }
0xc4: {  	_ =	task.clear_ibuf [dreg:s9], $0x2FFFF;
	_ =	strace $0x9FFFFFFF  }
0xc5: {  	(tm) =	ssettm $0x7FFFFFFF  }
tec
execute0_lowered:
.L_overlay_start_1:
0x0: {  	(tag) =	ssettag $0x1  }
0x1: {  	s1 =	srdreg.scid  }
0x2: {  	s0 =	stileid.u32;
	s3 =	rddreg [dreg:$0x1]  }
0x3: {  	s6 =	rddreg [dreg:$0x2];
	s14 =	simm.s32 $0x2;
	s15 =	simm.s32 $0x1900  }
0x4: {  	s16 =	simm.s32 $0x80;
	s17 =	simm.s32 $0x400;
	s2 =	sand.u32 $0x1, s1  }
0x5: {  	s18 =	simm.s32 $0x3200;
	s4 =	sshll.u32 s0, $0x4;
	s5 =	sshll.u32 s2, $0x3  }
0x6: {  	s19 =	simm.s32 $0x3C00;
	s20 =	simm.s32 $0x4600;
	s5 =	sor.u32 s5, s4  }
0x7: {  	s21 =	simm.s32 $0x5000;
	s22 =	simm.s32 $0x5A00;
	s23 =	simm.s32 $0x6400;
	v0 =	vmov s5  }
0x8: {  	s24 =	simm.s32 $0x6E00;
	v23 =	vlaneseq.u32;
	s25 =	simm.s32 $0x7800;
	v24 =	vimm.s32 $0x0;
	s26 =	simm.s32 $0x1;
	v1 =	vor.u32 $0x1, v0  }
0x9: {  	s28 =	simm.s32 $0x0;
	s1 =	rddreg [dreg:$0x0];
	s7 =	sshrl.u32 s5, $0x3;
	v2 =	vor.u32 $0x2, v0;
	v3 =	vor.u32 $0x3, v0;
	v4 =	vor.u32 $0x4, v0  }
0xa: {  	p0 =	sgt.u32 s0, $0x7;
	s2 =	ssub.s32 $0x2, s2;
	s7 =	smul.u32 $0xA00, s7;
	v5 =	vor.u32 $0x5, v0;
	v6 =	vor.u32 $0x6, v0;
	v7 =	vor.u32 $0x7, v0  }
.Ltmp0:
0xb: {  	s4 =	simm.s32 $0x0;
	s8 =	sshrl.u32 s2, $0x1;
	v8 =	vadd.s32 $0xFFFFFF80, v0;
	v9 =	vand.u32 $0x78, v0;
	v10 =	vadd.s32 $0xFFFFFF81, v0;
	(pc) =	sbr.rel .LBB2_1-.Ltmp0, $4  }
0xc: {  	[smem:$0x7FF] =	sst s4;
	s2 =	ssub.s32 s2, s8;
	v11 =	vadd.s32 $0xFFFFFF82, v0;
	v12 =	vadd.s32 $0xFFFFFF83, v0;
	v16 =	vadd.s32 $0xFFFFFF84, v0;
	s5 =	sadd.s32 s6, s7  }
0xd: {  	_ =	strace $0x80000047;
	s13 =	smax.u32 s2, $0x1;
	v17 =	vadd.s32 $0xFFFFFF85, v0;
	v18 =	vadd.s32 $0xFFFFFF86, v0;
	v22 =	vadd.s32 $0xFFFFFF87, v0;
	s6 =	sadd.s32 $0x10, s5  }
0xe: {  	v13 =	vand.u32 $0x79, v10;
	v14 =	vand.u32 $0x7A, v11;
	v15 =	vand.u32 $0x7B, v12;
	s7 =	sadd.s32 $0x20, s5;
	s8 =	sadd.s32 $0x30, s5;
	s9 =	sadd.s32 $0x40, s5  }
0xf: {  	v19 =	vand.u32 $0x7C, v16;
	v20 =	vand.u32 $0x7D, v17;
	v21 =	vand.u32 $0x7E, v18;
	s10 =	sadd.s32 $0x50, s5;
	s11 =	sadd.s32 $0x60, s5;
	s12 =	sadd.s32 $0x70, s5  }
.LBB2_7:
0x10: {  	vm0 =	vlt.s32 v27, $0x9C3  }
0x11: {  	v27 =	vnsel vm0, $0x9C3, v27  }
0x12: {  	v28 =	vor.u32 v21, v28;
	v29 =	vmulhi.u32 $0x51EB851F, v27;
	_ =	sdelay $0x1  }
0x13: {  	v29 =	vshrl.u32 v29, $0x4  }
0x14: {  	v30 =	vmul.u32 $0xFFFFFFCE, v29  }
0x15: {  	[tilespmem:s31+$0x6400] =	vst v26;
	v26 =	vmov s29;
	v27 =	vsub.s32 $0x0, v27  }
0x16: {  	vm15 =	veq.s32 v26, v23;
	v28 =	vld.idx.msk [tilespmem:v28+s15+$0x0], $0xffff;
	vm1 =	vne.s32 v30, v27  }
0x17: {  	v25 =	vadd.s32 v25, v22;
	vm0 =	vmand vm15, vm1  }
0x18: {  	v26 =	vsel vm0, $0xFFFFFFFF, v24  }
0x19: {  	v26 =	vadd.s32 v26, v29  }
0x1a: {  	v26 =	vshll.u32 v26, $0x7  }
0x1b: {  	[tilespmem:s31+$0x6E00] =	vst v28;
	v27 =	vadd.s32 v26, v8  }
0x1c: {  	v25 =	vld.idx.msk [tilespmem:v25+s15+$0x0], $0xffff;
	v27 =	vand.u32 $0xFFFFFF80, v27  }
0x1d: {  	v27 =	vor.u32 v9, v27;
	_ =	sdelay $0x3  }
0x1e: {  	[tilespmem:s31+$0x7800] =	vst v25;
	v25 =	vadd.s32 v10, v26  }
0x1f: {  	v25 =	vand.u32 $0xFFFFFF80, v25;
	v27 =	vld.idx.msk [tilespmem:v27+s15+$0x0], $0xffff  }
0x20: {  	v25 =	vor.u32 v13, v25;
	_ =	sdelay $0x2  }
0x21: {  	s2 =	sadd.s32 $0x10, s30  }
0x22: {  	[tilespmem:s2+$0x0] =	vst v27;
	v27 =	vadd.s32 v11, v26  }
0x23: {  	v25 =	vld.idx.msk [tilespmem:v25+s15+$0x0], $0xffff;
	v27 =	vand.u32 $0xFFFFFF80, v27  }
0x24: {  	v27 =	vor.u32 v14, v27;
	_ =	sdelay $0x2  }
0x25: {  	s31 =	sand.u32 $0xFF0, s29  }
0x26: {  	[tilespmem:s31+$0x3C00] =	vst v25;
	v25 =	vadd.s32 v12, v26  }
0x27: {  	v27 =	vld.idx.msk [tilespmem:v27+s15+$0x0], $0xffff;
	v25 =	vand.u32 $0xFFFFFF80, v25  }
0x28: {  	v25 =	vor.u32 v15, v25;
	_ =	sdelay $0x3  }
0x29: {  	[tilespmem:s31+$0x4600] =	vst v27;
	v27 =	vadd.s32 v16, v26  }
0x2a: {  	v25 =	vld.idx.msk [tilespmem:v25+s15+$0x0], $0xffff;
	v27 =	vand.u32 $0xFFFFFF80, v27  }
0x2b: {  	v27 =	vor.u32 v19, v27;
	_ =	sdelay $0x3  }
0x2c: {  	[tilespmem:s31+$0x5000] =	vst v25;
	v25 =	vadd.s32 v17, v26  }
0x2d: {  	v27 =	vld.idx.msk [tilespmem:v27+s15+$0x0], $0xffff;
	v25 =	vand.u32 $0xFFFFFF80, v25  }
0x2e: {  	v25 =	vor.u32 v20, v25;
	_ =	sdelay $0x3  }
0x2f: {  	[tilespmem:s31+$0x5A00] =	vst v27;
	v27 =	vadd.s32 v18, v26  }
0x30: {  	v25 =	vld.idx.msk [tilespmem:v25+s15+$0x0], $0xffff;
	v27 =	vand.u32 $0xFFFFFF80, v27  }
0x31: {  	v27 =	vor.u32 v21, v27;
	_ =	sdelay $0x3  }
0x32: {  	[tilespmem:s31+$0x6400] =	vst v25  }
0x33: {  	v25 =	vld.idx.msk [tilespmem:v27+s15+$0x0], $0xffff  }
0x34: {  	v26 =	vadd.s32 v26, v22;
	_ =	sdelay $0x3  }
0x35: {  	[tilespmem:s31+$0x6E00] =	vst v25  }
0x36: {  	v25 =	vld.idx.msk [tilespmem:v26+s15+$0x0], $0xffff;
	_ =	sdelay $0x4  }
0x37: {  	[tilespmem:s31+$0x7800] =	vst v25  }
.LBB2_8:
0x38: {  	[hbm4b:s5+s16] =	stream.strided.scatter [tilespmem:s18], [sflag:$0x1], $0xA00, s17, s16, $0x38;
	[tilespmem:$0x8200] =	vst v63  }
0x39: {  	_ = 	snop  }
0x3a: {  	[hbm4b:s6+s16] =	stream.strided.scatter [tilespmem:s19], [sflag:$0x1], $0xA00, s17, s16, $0x38;
	[tilespmem:$0x8200] =	vst v63  }
0x3b: {  	_ = 	snop  }
0x3c: {  	[hbm4b:s7+s16] =	stream.strided.scatter [tilespmem:s20], [sflag:$0x1], $0xA00, s17, s16, $0x38;
	[tilespmem:$0x8200] =	vst v63  }
0x3d: {  	_ = 	snop  }
0x3e: {  	[hbm4b:s8+s16] =	stream.strided.scatter [tilespmem:s21], [sflag:$0x1], $0xA00, s17, s16, $0x38;
	[tilespmem:$0x8200] =	vst v63  }
0x3f: {  	_ = 	snop  }
0x40: {  	[hbm4b:s9+s16] =	stream.strided.scatter [tilespmem:s22], [sflag:$0x1], $0xA00, s17, s16, $0x38;
	[tilespmem:$0x8200] =	vst v63  }
0x41: {  	_ = 	snop  }
0x42: {  	[hbm4b:s10+s16] =	stream.strided.scatter [tilespmem:s23], [sflag:$0x1], $0xA00, s17, s16, $0x38;
	[tilespmem:$0x8200] =	vst v63  }
0x43: {  	_ = 	snop  }
0x44: {  	[hbm4b:s11+s16] =	stream.strided.scatter [tilespmem:s24], [sflag:$0x1], $0xA00, s17, s16, $0x38;
	[tilespmem:$0x8200] =	vst v63  }
0x45: {  	_ = 	snop  }
0x46: {  	[hbm4b:s12+s16] =	stream.strided.scatter [tilespmem:s25], [sflag:$0x1], $0xA00, s17, s16, $0x38;
	[tilespmem:$0x8200] =	vst v63  }
0x47: {  	_ =	swait.ge [sflag:s26], $0xA00  }
0x48: {  	[sflag:s26] =	ssyncset.done $0x0  }
0x49: {  	[sflag:s26] =	ssyncadd.s32 $0xFFFFF600  }
0x4a: {  	_ =	swait.ge [sflag:s26], $0xA00  }
0x4b: {  	[sflag:s26] =	ssyncset.done $0x0  }
0x4c: {  	[sflag:s26] =	ssyncadd.s32 $0xFFFFF600  }
0x4d: {  	_ =	swait.ge [sflag:s26], $0xA00  }
0x4e: {  	[sflag:s26] =	ssyncset.done $0x0  }
0x4f: {  	[sflag:s26] =	ssyncadd.s32 $0xFFFFF600  }
0x50: {  	_ =	swait.ge [sflag:s26], $0xA00  }
0x51: {  	[sflag:s26] =	ssyncset.done $0x0  }
0x52: {  	[sflag:s26] =	ssyncadd.s32 $0xFFFFF600  }
0x53: {  	_ =	swait.ge [sflag:s26], $0xA00  }
0x54: {  	[sflag:s26] =	ssyncset.done $0x0  }
0x55: {  	[sflag:s26] =	ssyncadd.s32 $0xFFFFF600  }
0x56: {  	_ =	swait.ge [sflag:s26], $0xA00  }
0x57: {  	[sflag:s26] =	ssyncset.done $0x0  }
0x58: {  	s28 =	sadd.s32 $0x1, s28;
	[sflag:s26] =	ssyncadd.s32 $0xFFFFF600  }
0x59: {  	p1 =	sne.s32 s28, s13;
	_ =	swait.ge [sflag:s26], $0xA00  }
.Ltmp1:
0x5a: {  	[sflag:s26] =	ssyncset.done $0x0;
	(pc) =	sbr.rel @!p1 .LBB2_9-.Ltmp1, $4  }
0x5b: {  	[sflag:s26] =	ssyncadd.s32 $0xFFFFF600  }
0x5c: {  	_ =	swait.ge [sflag:s26], $0xA00  }
0x5d: {  	[sflag:s26] =	ssyncset.done $0x0  }
0x5e: {  	[sflag:s26] =	ssyncadd.s32 $0xFFFFF600  }
.LBB2_1:
0x5f: {  	[tilespmem:s4], [sflag:$0x2] =	stream.linear.gather [hbm4b:s3+s4], $0x1900, $0x38;
	[tilespmem:$0x8200] =	vst v63  }
0x60: {  	_ =	swait.ge [sflag:s14], $0x1900  }
0x61: {  	v25 =	vor.u32 s4, v23;
	[sflag:s14] =	ssyncset.done $0x0  }
.Ltmp2:
0x62: {  	vm0 =	vlt.s32 v25, $0x9C3;
	[sflag:s14] =	ssyncadd.s32 $0xFFFFE700;
	(pc) =	sbr.rel @p0 .LBB2_5-.Ltmp2, $4  }
0x63: {  	v25 =	vnsel vm0, $0x9C3, v25;
	[tilespmem:s15], [sflag:$0x2] =	stream.linear.gather [hbm4b:s1+s4], $0x1900, $0x38;
	[tilespmem:$0x8200] =	vst v63  }
0x64: {  	v26 =	vmulhi.u32 $0x51EB851F, v25;
	_ =	swait.ge [sflag:s14], $0x1900  }
0x65: {  	[sflag:s14] =	ssyncset.done $0x0  }
0x66: {  	v26 =	vshrl.u32 v26, $0x4;
	[sflag:s14] =	ssyncadd.s32 $0xFFFFE700  }
0x67: {  	v26 =	vmul.u32 $0x32, v26;
	_ =	sdelay $0x1  }
0x68: {  	v25 =	vsub.s32 v25, v26  }
0x69: {  	v25 =	vshll.u32 v25, $0x7  }
0x6a: {  	v26 =	vor.u32 v0, v25;
	_ =	sdelay $0x4  }
0x6b: {  	v26 =	vld.idx.msk [tilespmem:v26+s4+$0x0], $0xffff  }
0x6c: {  	v27 =	vor.u32 v25, v1;
	_ =	sdelay $0x3  }
0x6d: {  	[tilespmem:s18+$0x0] =	vst v26  }
0x6e: {  	v26 =	vld.idx.msk [tilespmem:v27+s4+$0x0], $0xffff  }
0x6f: {  	v27 =	vor.u32 v25, v2;
	_ =	sdelay $0x2  }
0x70: {  	s30 =	sand.u32 $0xFF0, s4  }
0x71: {  	[tilespmem:s30+$0x3C00] =	vst v26  }
0x72: {  	v26 =	vld.idx.msk [tilespmem:v27+s4+$0x0], $0xffff  }
0x73: {  	v27 =	vor.u32 v25, v3;
	_ =	sdelay $0x3  }
0x74: {  	[tilespmem:s30+$0x4600] =	vst v26  }
0x75: {  	v26 =	vld.idx.msk [tilespmem:v27+s4+$0x0], $0xffff  }
0x76: {  	v27 =	vor.u32 v25, v4;
	_ =	sdelay $0x3  }
0x77: {  	[tilespmem:s30+$0x5000] =	vst v26  }
0x78: {  	v26 =	vld.idx.msk [tilespmem:v27+s4+$0x0], $0xffff  }
0x79: {  	v27 =	vor.u32 v25, v5;
	_ =	sdelay $0x3  }
0x7a: {  	[tilespmem:s30+$0x5A00] =	vst v26  }
0x7b: {  	v28 =	vld.idx.msk [tilespmem:v27+s4+$0x0], $0xffff  }
0x7c: {  	v26 =	vor.u32 v25, v6;
	_ =	sdelay $0x2  }
0x7d: {  	s29 =	simm.s32 $0x10  }
0x7e: {  	s31 =	simm.s32 $0x20;
	s2 =	simm.s32 $0x3200;
	v27 =	vor.u32 s29, v23;
	[tilespmem:s30+$0x6400] =	vst v28  }
.LBB2_3:
0x7f: {  	p1 =	seq.s32 s31, $0x9C0;
	vm0 =	vlt.s32 v27, $0x9C3;
	v26 =	vld.idx.msk [tilespmem:v26+s4+$0x0], $0xffff  }
0x80: {  	v27 =	vnsel vm0, $0x9C3, v27  }
0x81: {  	v25 =	vor.u32 v25, v7;
	v28 =	vmulhi.u32 $0x51EB851F, v27;
	_ =	sdelay $0x1  }
0x82: {  	v28 =	vshrl.u32 v28, $0x4  }
0x83: {  	v28 =	vmul.u32 $0x32, v28  }
0x84: {  	[tilespmem:s30+$0x6E00] =	vst v26  }
0x85: {  	v26 =	vsub.s32 v27, v28;
	v27 =	vld.idx.msk [tilespmem:v25+s4+$0x0], $0xffff  }
0x86: {  	v25 =	vshll.u32 v26, $0x7  }
0x87: {  	v26 =	vor.u32 v0, v25;
	_ =	sdelay $0x3  }
0x88: {  	[tilespmem:s30+$0x7800] =	vst v27  }
0x89: {  	v26 =	vld.idx.msk [tilespmem:v26+s4+$0x0], $0xffff;
	_ =	sdelay $0x1  }
0x8a: {  	v27 =	vor.u32 v25, v1;
	_ =	sdelay $0x2  }
0x8b: {  	s2 =	sadd.s32 $0x10, s2  }
0x8c: {  	[tilespmem:s2+$0x0] =	vst v26  }
0x8d: {  	v26 =	vld.idx.msk [tilespmem:v27+s4+$0x0], $0xffff;
	_ =	sdelay $0x1  }
0x8e: {  	v27 =	vor.u32 v25, v2;
	_ =	sdelay $0x2  }
0x8f: {  	s30 =	sand.u32 $0xFF0, s29;
	s29 =	smov.u32 s31  }
0x90: {  	[tilespmem:s30+$0x3C00] =	vst v26  }
0x91: {  	v26 =	vld.idx.msk [tilespmem:v27+s4+$0x0], $0xffff;
	_ =	sdelay $0x1  }
0x92: {  	v27 =	vor.u32 v25, v3;
	_ =	sdelay $0x3  }
0x93: {  	[tilespmem:s30+$0x4600] =	vst v26  }
0x94: {  	v26 =	vld.idx.msk [tilespmem:v27+s4+$0x0], $0xffff;
	_ =	sdelay $0x1  }
0x95: {  	v27 =	vor.u32 v25, v4;
	_ =	sdelay $0x3  }
0x96: {  	[tilespmem:s30+$0x5000] =	vst v26  }
0x97: {  	v26 =	vld.idx.msk [tilespmem:v27+s4+$0x0], $0xffff;
	_ =	sdelay $0x1  }
0x98: {  	v27 =	vor.u32 v25, v5;
	_ =	sdelay $0x3  }
0x99: {  	[tilespmem:s30+$0x5A00] =	vst v26  }
0x9a: {  	v28 =	vld.idx.msk [tilespmem:v27+s4+$0x0], $0xffff;
	_ =	sdelay $0x1  }
.Ltmp3:
0x9b: {  	v26 =	vor.u32 v25, v6;
	(pc) =	sbr.rel @!p1 .LBB2_3-.Ltmp3, $2  }
0x9c: {  	_ =	sdelay $0x2  }
0x9d: {  	s31 =	sadd.s32 $0x10, s31;
	v27 =	vor.u32 s29, v23;
	[tilespmem:s30+$0x6400] =	vst v28  }
0x9e: {  	_ =	sdelay $0x1  }
0x9f: {  	vm0 =	vlt.s32 v27, $0x9C3  }
0xa0: {  	v27 =	vnsel vm0, $0x9C3, v27  }
0xa1: {  	v26 =	vld.idx.msk [tilespmem:v26+s4+$0x0], $0xffff;
	v28 =	vmulhi.u32 $0x51EB851F, v27  }
0xa2: {  	v25 =	vor.u32 v25, v7  }
0xa3: {  	v28 =	vshrl.u32 v28, $0x4  }
0xa4: {  	v28 =	vmul.u32 $0x32, v28;
	_ =	sdelay $0x1  }
0xa5: {  	[tilespmem:s30+$0x6E00] =	vst v26;
	v26 =	vsub.s32 v27, v28  }
0xa6: {  	v25 =	vld.idx.msk [tilespmem:v25+s4+$0x0], $0xffff;
	v26 =	vshll.u32 v26, $0x7  }
0xa7: {  	v27 =	vor.u32 v0, v26;
	_ =	sdelay $0x3  }
0xa8: {  	[tilespmem:s30+$0x7800] =	vst v25  }
0xa9: {  	v25 =	vld.idx.msk [tilespmem:v27+s4+$0x0], $0xffff  }
0xaa: {  	v27 =	vor.u32 v26, v1;
	_ =	sdelay $0x2  }
0xab: {  	s2 =	sadd.s32 $0x10, s2  }
0xac: {  	[tilespmem:s2+$0x0] =	vst v25  }
0xad: {  	v25 =	vld.idx.msk [tilespmem:v27+s4+$0x0], $0xffff  }
0xae: {  	v27 =	vor.u32 v26, v2;
	_ =	sdelay $0x2  }
0xaf: {  	s31 =	sand.u32 $0xFF0, s29  }
0xb0: {  	[tilespmem:s31+$0x3C00] =	vst v25  }
0xb1: {  	v25 =	vld.idx.msk [tilespmem:v27+s4+$0x0], $0xffff  }
0xb2: {  	v27 =	vor.u32 v26, v3;
	_ =	sdelay $0x3  }
0xb3: {  	[tilespmem:s31+$0x4600] =	vst v25  }
0xb4: {  	v25 =	vld.idx.msk [tilespmem:v27+s4+$0x0], $0xffff  }
0xb5: {  	v27 =	vor.u32 v26, v4;
	_ =	sdelay $0x3  }
0xb6: {  	[tilespmem:s31+$0x5000] =	vst v25  }
0xb7: {  	v25 =	vld.idx.msk [tilespmem:v27+s4+$0x0], $0xffff  }
0xb8: {  	v27 =	vor.u32 v26, v5;
	_ =	sdelay $0x3  }
0xb9: {  	[tilespmem:s31+$0x5A00] =	vst v25  }
0xba: {  	v25 =	vld.idx.msk [tilespmem:v27+s4+$0x0], $0xffff  }
0xbb: {  	v27 =	vor.u32 v26, v6;
	_ =	sdelay $0x3  }
0xbc: {  	[tilespmem:s31+$0x6400] =	vst v25  }
0xbd: {  	v25 =	vld.idx.msk [tilespmem:v27+s4+$0x0], $0xffff  }
0xbe: {  	v26 =	vor.u32 v26, v7;
	_ =	sdelay $0x3  }
0xbf: {  	[tilespmem:s31+$0x6E00] =	vst v25  }
0xc0: {  	v25 =	vld.idx.msk [tilespmem:v26+s4+$0x0], $0xffff  }
.Ltmp4:
0xc1: {  	_ = 	snop;
	(pc) =	sbr.rel .LBB2_8-.Ltmp4, $2  }
0xc2: {  	_ =	sdelay $0x2  }
0xc3: {  	[tilespmem:s31+$0x7800] =	vst v25  }
.LBB2_5:
0xc4: {  	v27 =	vmul.u32 $0xFFFFFFCE, v26  }
0xc5: {  	v28 =	vmov s4;
	v25 =	vsub.s32 $0x0, v25  }
0xc6: {  	vm0 =	veq.s32 v28, v23;
	vm1 =	vne.s32 v27, v25  }
0xc7: {  	vm0 =	vmand vm0, vm1  }
0xc8: {  	v25 =	vsel vm0, $0xFFFFFFFF, v24  }
0xc9: {  	v25 =	vadd.s32 v25, v26  }
0xca: {  	v25 =	vshll.u32 v25, $0x7  }
0xcb: {  	v26 =	vadd.s32 v25, v8  }
0xcc: {  	v26 =	vand.u32 $0xFFFFFF80, v26  }
0xcd: {  	v26 =	vor.u32 v9, v26;
	_ =	sdelay $0x3  }
0xce: {  	v27 =	vadd.s32 v10, v25  }
0xcf: {  	v27 =	vand.u32 $0xFFFFFF80, v27;
	v26 =	vld.idx.msk [tilespmem:v26+s15+$0x0], $0xffff  }
0xd0: {  	v27 =	vor.u32 v13, v27;
	_ =	sdelay $0x3  }
0xd1: {  	[tilespmem:s18+$0x0] =	vst v26;
	v26 =	vadd.s32 v11, v25  }
0xd2: {  	v27 =	vld.idx.msk [tilespmem:v27+s15+$0x0], $0xffff;
	v26 =	vand.u32 $0xFFFFFF80, v26  }
0xd3: {  	v26 =	vor.u32 v14, v26;
	_ =	sdelay $0x2  }
0xd4: {  	s31 =	sand.u32 $0xFF0, s4  }
0xd5: {  	[tilespmem:s31+$0x3C00] =	vst v27;
	v27 =	vadd.s32 v12, v25  }
0xd6: {  	v26 =	vld.idx.msk [tilespmem:v26+s15+$0x0], $0xffff;
	v27 =	vand.u32 $0xFFFFFF80, v27  }
0xd7: {  	v27 =	vor.u32 v15, v27;
	_ =	sdelay $0x3  }
0xd8: {  	[tilespmem:s31+$0x4600] =	vst v26;
	v26 =	vadd.s32 v16, v25  }
0xd9: {  	v27 =	vld.idx.msk [tilespmem:v27+s15+$0x0], $0xffff;
	v26 =	vand.u32 $0xFFFFFF80, v26  }
0xda: {  	v26 =	vor.u32 v19, v26;
	_ =	sdelay $0x3  }
0xdb: {  	[tilespmem:s31+$0x5000] =	vst v27;
	v27 =	vadd.s32 v17, v25  }
0xdc: {  	v26 =	vld.idx.msk [tilespmem:v26+s15+$0x0], $0xffff;
	v27 =	vand.u32 $0xFFFFFF80, v27  }
0xdd: {  	v27 =	vor.u32 v20, v27;
	_ =	sdelay $0x3  }
0xde: {  	s29 =	simm.s32 $0x10;
	v28 =	vadd.s32 v18, v25;
	[tilespmem:s31+$0x5A00] =	vst v26  }
0xdf: {  	s2 =	simm.s32 $0x20;
	s30 =	simm.s32 $0x3200;
	v28 =	vand.u32 $0xFFFFFF80, v28;
	v26 =	vld.idx.msk [tilespmem:v27+s15+$0x0], $0xffff;
	v27 =	vor.u32 s29, v23  }
.LBB2_6:
0xe0: {  	p1 =	sne.s32 s2, $0x9C0;
	vm0 =	vlt.s32 v27, $0x9C3;
	v28 =	vor.u32 v21, v28  }
0xe1: {  	v27 =	vnsel vm0, $0x9C3, v27  }
0xe2: {  	v29 =	vmulhi.u32 $0x51EB851F, v27;
	_ =	sdelay $0x1  }
0xe3: {  	v29 =	vshrl.u32 v29, $0x4;
	[tilespmem:s31+$0x6400] =	vst v26  }
0xe4: {  	v26 =	vmul.u32 $0xFFFFFFCE, v29;
	v28 =	vld.idx.msk [tilespmem:v28+s15+$0x0], $0xffff  }
0xe5: {  	v30 =	vmov s29;
	v27 =	vsub.s32 $0x0, v27  }
0xe6: {  	vm0 =	veq.s32 v30, v23;
	vm1 =	vne.s32 v26, v27;
	v26 =	vadd.s32 v25, v22  }
0xe7: {  	vm0 =	vmand vm0, vm1  }
0xe8: {  	v25 =	vsel vm0, $0xFFFFFFFF, v24  }
0xe9: {  	v25 =	vadd.s32 v25, v29  }
0xea: {  	v25 =	vshll.u32 v25, $0x7;
	[tilespmem:s31+$0x6E00] =	vst v28  }
0xeb: {  	v27 =	vadd.s32 v25, v8;
	v26 =	vld.idx.msk [tilespmem:v26+s15+$0x0], $0xffff  }
0xec: {  	v27 =	vand.u32 $0xFFFFFF80, v27  }
0xed: {  	v27 =	vor.u32 v9, v27;
	_ =	sdelay $0x3  }
0xee: {  	[tilespmem:s31+$0x7800] =	vst v26  }
0xef: {  	v26 =	vld.idx.msk [tilespmem:v27+s15+$0x0], $0xffff;
	v27 =	vadd.s32 v10, v25  }
0xf0: {  	v27 =	vand.u32 $0xFFFFFF80, v27  }
0xf1: {  	v27 =	vor.u32 v13, v27;
	_ =	sdelay $0x2  }
0xf2: {  	s30 =	sadd.s32 $0x10, s30  }
0xf3: {  	[tilespmem:s30+$0x0] =	vst v26  }
0xf4: {  	v26 =	vld.idx.msk [tilespmem:v27+s15+$0x0], $0xffff;
	v27 =	vadd.s32 v11, v25  }
0xf5: {  	v27 =	vand.u32 $0xFFFFFF80, v27  }
0xf6: {  	v27 =	vor.u32 v14, v27;
	_ =	sdelay $0x2  }
0xf7: {  	s31 =	sand.u32 $0xFF0, s29;
	s29 =	smov.u32 s2  }
0xf8: {  	[tilespmem:s31+$0x3C00] =	vst v26  }
0xf9: {  	v26 =	vld.idx.msk [tilespmem:v27+s15+$0x0], $0xffff;
	v27 =	vadd.s32 v12, v25  }
0xfa: {  	v27 =	vand.u32 $0xFFFFFF80, v27  }
0xfb: {  	v27 =	vor.u32 v15, v27;
	_ =	sdelay $0x3  }
0xfc: {  	[tilespmem:s31+$0x4600] =	vst v26  }
0xfd: {  	v26 =	vld.idx.msk [tilespmem:v27+s15+$0x0], $0xffff;
	v27 =	vadd.s32 v16, v25  }
0xfe: {  	v27 =	vand.u32 $0xFFFFFF80, v27  }
0xff: {  	v27 =	vor.u32 v19, v27;
	_ =	sdelay $0x3  }
0x100: {  	[tilespmem:s31+$0x5000] =	vst v26  }
0x101: {  	v26 =	vld.idx.msk [tilespmem:v27+s15+$0x0], $0xffff;
	v27 =	vadd.s32 v17, v25  }
0x102: {  	v27 =	vand.u32 $0xFFFFFF80, v27  }
0x103: {  	v27 =	vor.u32 v20, v27;
	_ =	sdelay $0x1  }
.Ltmp5:
0x104: {  	(pc) =	sbr.rel @p1 .LBB2_6-.Ltmp5, $4  }
0x105: {  	_ = 	snop  }
0x106: {  	[tilespmem:s31+$0x5A00] =	vst v26  }
0x107: {  	v28 =	vadd.s32 v18, v25;
	v26 =	vld.idx.msk [tilespmem:v27+s15+$0x0], $0xffff  }
0x108: {  	v28 =	vand.u32 $0xFFFFFF80, v28;
	s2 =	sadd.s32 $0x10, s2;
	v27 =	vor.u32 s29, v23  }
.Ltmp6:
0x109: {  	_ = 	snop;
	(pc) =	sbr.rel .LBB2_7-.Ltmp6, $1  }
0x10a: {  	_ =	sdelay $0x3  }
.LBB2_9:
0x10b: {  	_ =	sfence.sel $0x180000  }
0x10c: {  	[bflag:$0x0] =	sbarrier.arrive $0xFFFF  }
0x10d: {  	_ =	strace $0x90000047  }
0x10e: {  	[bflag:$0x2] =	sbarrier.arrive $0xFFFF  }
0x10f: {  	p0 =	sne.s32 s0, $0x0;
	s0 =	rddreg [dreg:$0x3]  }
0x110: {  	s0 =	sadd.s32 @!p0 $0x100000, s0  }
0x111: {  	[sflag:s0] =	ssyncadd.tile.s32 @!p0 $0x1;
	_ =	shalt  }
.Lfunc_end2:
_tile_overlayer_lowered:
.L_overlay_start_2:
0x112: {  	(tag) =	ssettag $0x2  }
0x113: {  	s0 =	rddreg [dreg:$0x0];
	s2 =	stileid.u32  }
0x114: {  	s1 =	rddreg [dreg:$0x1];
	p0 =	sne.s32 s2, $0x0  }
0x115: {  	s3 =	rddreg [dreg:$0x2];
	[bflag:$0x3] =	sbarrier.arrive $0xFFFF;
	s2 =	simm.s32 @!p0 $0x1C02  }
0x116: {  	[timem:s3], [sflag:s2] =	dma.local @!p0 [hbm:s0], s1  }
0x117: {  	s0 =	simm.s32 @!p0 $0x2  }
0x118: {  	_ =	swait.ge @!p0 [sflag:s0], s1  }
0x119: {  	s1 =	ssub.s32 @!p0 $0x0, s1;
	[sflag:s0] =	ssyncset.done @!p0 $0x0  }
0x11a: {  	[sflag:s0] =	ssyncadd.s32 @!p0 s1  }
0x11b: {  	[bflag:$0x3] =	sbarrier.arrive $0xFFFF  }
0x11c: {  	_ =	shalt  }

</sc_bundles>
